<compile_context>
chip_gen: v7x
topology: tpu7x:2x2x1
jax: 0.10.2.dev20260603
libtpu: 0.0.44.dev20260713+nightly
codegen_flags: <defaults>
</compile_context>

<pallas_src>
import functools
import itertools
import math

import jax
import jax.numpy as jnp
import numpy as np
from jax import lax
from jax.experimental import pallas as pl
from jax.experimental.pallas import tpu as pltpu
from jax.experimental.pallas import tpu_sc as plsc

DIM = 4096
N_MODULES = 16
N_ACTIVE = 2
_SUBSETS_T_NP = np.array(
    list(itertools.combinations(range(N_MODULES), N_ACTIVE)), dtype=np.int32
).T
N_SUBSETS = _SUBSETS_T_NP.shape[1]

LANES = 16
SEQ_BLOCK = 256
T_SC = 1536
ROWS_G = 32

NC = 2
NS = 16
NW = NC * NS


@functools.lru_cache(maxsize=None)
def _make_sc_partial(B, T, t_sc):
    w_per_b = NW // B
    cols_w = DIM // w_per_b
    ch_w = cols_w // LANES
    n_groups = t_sc // ROWS_G
    assert n_groups % 2 == 0
    t_tc = T - t_sc
    mesh = plsc.VectorSubcoreMesh(
        core_axis_name="c", subcore_axis_name="s",
        num_cores=NC, num_subcores=NS)

    @functools.partial(
        pl.kernel,
        mesh=mesh,
        out_type=jax.ShapeDtypeStruct((B * DIM,), jnp.float32),
        scratch_types=[
            pltpu.VMEM((ROWS_G, cols_w), jnp.float32),
            pltpu.VMEM((ROWS_G, cols_w), jnp.float32),
            pltpu.VMEM((ROWS_G, LANES), jnp.float32),
            pltpu.VMEM((ROWS_G, LANES), jnp.float32),
            pltpu.VMEM((cols_w,), jnp.float32),
            pltpu.SemaphoreType.DMA,
            pltpu.SemaphoreType.DMA,
            pltpu.SemaphoreType.DMA,
            pltpu.SemaphoreType.DMA,
            pltpu.SemaphoreType.DMA,
        ],
    )
    def sc_partial(x_hbm, m16_hbm, out_hbm,
                   xa, xb, ma, mb, stage,
                   sxa, sxb, sma, smb, sout):
        wid = lax.axis_index("s") * NC + lax.axis_index("c")
        bid = wid // w_per_b
        col0 = (wid % w_per_b) * cols_w
        row0 = bid * T + t_tc
        mrow0 = bid * t_sc

        def x_copy(g, buf, sem):
            return pltpu.make_async_copy(
                x_hbm.at[pl.ds(row0 + g * ROWS_G, ROWS_G),
                         pl.ds(col0, cols_w)],
                buf, sem)

        def m_copy(g, buf, sem):
            return pltpu.make_async_copy(
                m16_hbm.at[pl.ds(mrow0 + g * ROWS_G, ROWS_G), :], buf, sem)

        def compute(buf, mbuf, accs):
            accs = list(accs)
            for r in range(0, ROWS_G, ROWS_G):
                mv = mbuf[r, :]
                for c in range(ch_w):
                    accs[c] = accs[c] + buf[r, pl.ds(c * LANES, LANES)] * mv
            return tuple(accs)

        x_copy(0, xa, sxa).start()
        m_copy(0, ma, sma).start()
        x_copy(1, xb, sxb).start()
        m_copy(1, mb, smb).start()

        def body(t, accs):
            g0 = 2 * t
            x_copy(g0, xa, sxa).wait()
            m_copy(g0, ma, sma).wait()
            accs = compute(xa, ma, accs)

            @pl.when(g0 + 2 < n_groups)
            def _():
                x_copy(g0 + 2, xa, sxa).start()
                m_copy(g0 + 2, ma, sma).start()

            x_copy(g0 + 1, xb, sxb).wait()
            m_copy(g0 + 1, mb, smb).wait()
            accs = compute(xb, mb, accs)

            @pl.when(g0 + 3 < n_groups)
            def _():
                x_copy(g0 + 3, xb, sxb).start()
                m_copy(g0 + 3, mb, smb).start()

            return accs

        init = tuple(jnp.zeros((LANES,), jnp.float32) for _ in range(ch_w))
        accs = lax.fori_loop(0, n_groups // 2, body, init)

        for c in range(ch_w):
            stage[pl.ds(c * LANES, LANES)] = accs[c]
        pltpu.make_async_copy(
            stage, out_hbm.at[pl.ds(bid * DIM + col0, cols_w)], sout).start()
        pltpu.make_async_copy(
            stage, out_hbm.at[pl.ds(bid * DIM + col0, cols_w)], sout).wait()

    return sc_partial


def _tc_partial_kernel(x_ref, mask_ref, out_ref):
    i = pl.program_id(0)

    @pl.when(i == 0)
    def _init():
        out_ref[...] = jnp.zeros_like(out_ref)

    m = mask_ref[:, pl.ds(i * SEQ_BLOCK, SEQ_BLOCK)]
    out_ref[...] += jnp.sum(x_ref[...] * m[:, :, None], axis=1)


def _head_kernel(tc_ref, sc_ref, w_ref, b_ref, subs_ref,
                 logp_ref, sel_ref, pred_ref):
    xs = tc_ref[...] + sc_ref[...]
    logits = jax.lax.dot_general(
        xs, w_ref[...], (((1,), (1,)), ((), ())),
        preferred_element_type=jnp.float32) + b_ref[...]
    mx = jnp.max(logits, axis=-1, keepdims=True)
    sh = logits - mx
    lse = jnp.log(jnp.sum(jnp.exp(sh), axis=-1, keepdims=True))
    logp_ref[...] = sh - lse

    ids = jax.lax.broadcasted_iota(jnp.int32, logits.shape, 1)
    pred = jnp.min(
        jnp.where(logits == mx, ids, jnp.int32(N_SUBSETS)),
        axis=-1, keepdims=True)
    pred_ref[...] = pred

    onehot = (ids == pred).astype(jnp.int32)
    sel_ref[...] = jnp.sum(
        onehot[:, None, :] * subs_ref[...][None, :, :], axis=-1)


def kernel(x, padding_mask, W, b):
    B, T, _ = x.shape
    t_tc = T - T_SC
    nb = t_tc // SEQ_BLOCK

    mask_f = (~padding_mask).astype(jnp.float32)
    x2d = x.reshape(B * T, DIM)
    m16 = jnp.broadcast_to(
        mask_f[:, t_tc:, None], (B, T_SC, LANES)).reshape(B * T_SC, LANES)

    sc_part = _make_sc_partial(B, T, T_SC)(x2d, m16)

    tc_part = pl.pallas_call(
        _tc_partial_kernel,
        grid=(nb,),
        in_specs=[
            pl.BlockSpec((B, SEQ_BLOCK, DIM), lambda i: (0, i, 0)),
            pl.BlockSpec((B, T), lambda i: (0, 0)),
        ],
        out_specs=pl.BlockSpec((B, DIM), lambda i: (0, 0)),
        out_shape=jax.ShapeDtypeStruct((B, DIM), jnp.float32),
    )(x, mask_f)

    subs_t = jnp.asarray(_SUBSETS_T_NP)
    b2 = b.reshape(1, N_SUBSETS)
    logp, sel, pred = pl.pallas_call(
        _head_kernel,
        in_specs=[
            pl.BlockSpec((B, DIM), lambda: (0, 0)),
            pl.BlockSpec((B, DIM), lambda: (0, 0)),
            pl.BlockSpec((N_SUBSETS, DIM), lambda: (0, 0)),
            pl.BlockSpec((1, N_SUBSETS), lambda: (0, 0)),
            pl.BlockSpec((N_ACTIVE, N_SUBSETS), lambda: (0, 0)),
        ],
        out_specs=[
            pl.BlockSpec((B, N_SUBSETS), lambda: (0, 0)),
            pl.BlockSpec((B, N_ACTIVE), lambda: (0, 0)),
            pl.BlockSpec((B, 1), lambda: (0, 0)),
        ],
        out_shape=[
            jax.ShapeDtypeStruct((B, N_SUBSETS), jnp.float32),
            jax.ShapeDtypeStruct((B, N_ACTIVE), jnp.int32),
            jax.ShapeDtypeStruct((B, 1), jnp.int32),
        ],
    )(tc_part, sc_part.reshape(B, DIM), W, b2, subs_t)

    return (logp.reshape(B, 1, N_SUBSETS), sel, pred)

# --- scband reference (transcript-rebuilt; emitter-appended) ---
"""Pipeline reference for scband-modular-ctrl-58153857188047 (READ-ONLY COPY).

The authoritative reference and input builder live on the scoring server;
editing this copy changes nothing except your own understanding.
"""

import jax, jax.numpy as jnp
import numpy as np
import itertools, math

DIM = 4096
N_MODULES = 16
N_ACTIVE = 2
SUBSETS = jnp.array(list(itertools.combinations(range(N_MODULES), N_ACTIVE)), dtype=jnp.int32)  # [120, 2]
N_SUBSETS = SUBSETS.shape[0]


def setup_inputs(seed: int = 0) -> dict:
    key = jax.random.key(seed)
    k1, k2, k3 = jax.random.split(key, 3)
    x = jax.random.normal(k1, (2, 4096, DIM), dtype=jnp.float32)
    padding_mask = jnp.zeros((2, 4096), dtype=bool)
    # xavier_uniform with gain 1/sqrt(2): bound = gain * sqrt(6/(fan_in+fan_out))
    a = (1.0 / math.sqrt(2.0)) * math.sqrt(6.0 / (DIM + N_SUBSETS))
    W = jax.random.uniform(k2, (N_SUBSETS, DIM), minval=-a, maxval=a, dtype=jnp.float32)
    bb = 1.0 / math.sqrt(DIM)
    b = jax.random.uniform(k3, (N_SUBSETS,), minval=-bb, maxval=bb, dtype=jnp.float32)
    return {"x": x, "padding_mask": padding_mask, "W": W, "b": b}


def reference(x, padding_mask, W, b):
    # mode == 'validation' (hardcoded; string arg not representable as tensor)
    batch_size = x.shape[0]
    x_flat = x.reshape(batch_size, -1, DIM)
    mask = (~padding_mask).astype(x.dtype).reshape(batch_size, -1, 1)
    x_flat = x_flat * mask
    x_sum = x_flat.sum(axis=1)  # [B, dim]
    logits = x_sum @ W.T + b    # [B, n_subsets]
    logits = logits[:, None, :]  # unsqueeze(-2) -> [B, 1, n_subsets]
    # Categorical(logits=...) distribution represented by its normalized log-probs
    ctrl_log_probs = jax.nn.log_softmax(logits, axis=-1)
    # validation mode: argmax prediction
    ctrl_prediction = jnp.argmax(logits, axis=-1)  # [B, 1]
    # pred2sel: subsets[prediction].squeeze(1)
    selection = SUBSETS[ctrl_prediction]  # [B, 1, n_active]
    selection = jnp.squeeze(selection, axis=1)  # [B, n_active]
    return (ctrl_log_probs, selection, ctrl_prediction)

if __name__ == "__main__":
    import jax
    _d = setup_inputs()
    print(jax.jit(kernel)(*tuple(_d.values())))

</pallas_src>

<mosaic_0001>
#map = affine_map<(d0, d1) -> (0, 0)>
#map1 = affine_map<(d0, d1) -> (0)>
module attributes {stable_mosaic.version = 14 : i64} {
  func.func @sc_partial(%arg0: i32, %arg1: i32, %arg2: memref<8192x4096xf32, #tpu.memory_space<hbm>>, %arg3: memref<3072x16xf32, #tpu.memory_space<hbm>>, %arg4: memref<8192xf32, #tpu.memory_space<hbm>>, %arg5: memref<32x256xf32, #tpu.memory_space<vmem>>, %arg6: memref<32x256xf32, #tpu.memory_space<vmem>>, %arg7: memref<32x16xf32, #tpu.memory_space<vmem>>, %arg8: memref<32x16xf32, #tpu.memory_space<vmem>>, %arg9: memref<256xf32, #tpu.memory_space<vmem>>, %arg10: memref<!tpu.dma_semaphore, #tpu.memory_space<semaphore_mem>>, %arg11: memref<!tpu.dma_semaphore, #tpu.memory_space<semaphore_mem>>, %arg12: memref<!tpu.dma_semaphore, #tpu.memory_space<semaphore_mem>>, %arg13: memref<!tpu.dma_semaphore, #tpu.memory_space<semaphore_mem>>, %arg14: memref<!tpu.dma_semaphore, #tpu.memory_space<semaphore_mem>>) attributes {dimension_semantics = [#tpu.dimension_semantics<core_parallel>, #tpu.dimension_semantics<subcore_parallel>], iteration_bounds = array<i64: 2, 16>, scalar_prefetch = 0 : i64, scratch_operands = 10 : i64, tpu.core_type = #tpu.core_type<sc_vector_subcore>, window_params = [{transform_indices = #map}, {transform_indices = #map}, {transform_indices = #map1}]} {
    %mul3A = arith.constant 2 : i32
    %mul3A_0 = arith.muli %arg1, %mul3A : i32
    %add3A = arith.addi %mul3A_0, %arg0 : i32
    %jit3A = arith.constant 16 : i32
    %div3A = arith.divsi %add3A, %jit3A : i32
    %sign3A = arith.constant 0 : i32
    %sign3A_1 = arith.cmpi sgt, %add3A, %sign3A : i32
    %sign3A_2 = arith.extui %sign3A_1 : i1 to i32
    %sign3A_3 = arith.constant 0 : i32
    %sign3A_4 = arith.cmpi slt, %add3A, %sign3A_3 : i32
    %sign3A_5 = arith.extui %sign3A_4 : i1 to i32
    %sign3A_6 = arith.subi %sign3A_2, %sign3A_5 : i32
    %sign3A_7 = arith.constant 0 : i32
    %sign3A_8 = arith.cmpi sgt, %jit3A, %sign3A_7 : i32
    %sign3A_9 = arith.extui %sign3A_8 : i1 to i32
    %sign3A_10 = arith.constant 0 : i32
    %sign3A_11 = arith.cmpi slt, %jit3A, %sign3A_10 : i32
    %sign3A_12 = arith.extui %sign3A_11 : i1 to i32
    %sign3A_13 = arith.subi %sign3A_9, %sign3A_12 : i32
    %ne3A = arith.cmpi ne, %sign3A_6, %sign3A_13 : i32
    %rem3A = arith.remsi %add3A, %jit3A : i32
    %ne3A_14 = arith.constant 0 : i32
    %ne3A_15 = arith.cmpi ne, %rem3A, %ne3A_14 : i32
    %and3A = arith.andi %ne3A, %ne3A_15 : i1
    %sub3A = arith.constant 1 : i32
    %sub3A_16 = arith.subi %div3A, %sub3A : i32
    %select_n3A = arith.select %and3A, %sub3A_16, %div3A : i32
    %jit3A_17 = arith.constant 16 : i32
    %eq3A = arith.constant 0 : i32
    %eq3A_18 = arith.cmpi eq, %jit3A_17, %eq3A : i32
    %jit3A_19 = arith.constant 1 : i32
    %select_n3A_20 = arith.select %eq3A_18, %jit3A_19, %jit3A_17 : i32
    %rem3A_21 = arith.remsi %add3A, %select_n3A_20 : i32
    %ne3A_22 = arith.constant 0 : i32
    %ne3A_23 = arith.cmpi ne, %rem3A_21, %ne3A_22 : i32
    %lt3A = arith.constant 0 : i32
    %lt3A_24 = arith.cmpi slt, %rem3A_21, %lt3A : i32
    %lt3A_25 = arith.constant 0 : i32
    %lt3A_26 = arith.cmpi slt, %select_n3A_20, %lt3A_25 : i32
    %ne3A_27 = arith.xori %lt3A_24, %lt3A_26 : i1
    %and3A_28 = arith.andi %ne3A_27, %ne3A_23 : i1
    %add3A_29 = arith.addi %rem3A_21, %select_n3A_20 : i32
    %select_n3A_30 = arith.select %and3A_28, %add3A_29, %rem3A_21 : i32
    %mul3A_31 = arith.constant 256 : i32
    %mul3A_32 = arith.muli %select_n3A_30, %mul3A_31 : i32
    %mul3A_33 = arith.constant 4096 : i32
    %mul3A_34 = arith.muli %select_n3A, %mul3A_33 : i32
    %add3A_35 = arith.constant 2560 : i32
    %add3A_36 = arith.addi %mul3A_34, %add3A_35 : i32
    %mul3A_37 = arith.constant 1536 : i32
    %mul3A_38 = arith.muli %select_n3A, %mul3A_37 : i32
    %add3A_39 = arith.constant 0 : i32
    %add3A_40 = arith.addi %add3A_36, %add3A_39 : i32
    %dma_start3A = tpu.memref_slice %arg2[%add3A_40, %mul3A_32] : memref<8192x4096xf32, #tpu.memory_space<hbm>> -> memref<32x256xf32, #tpu.memory_space<hbm>>
    %dma_start3A_41 = tpu.memref_slice %arg2[%add3A_40, %mul3A_32] : memref<8192x4096xf32, #tpu.memory_space<hbm>> -> memref<32x256xf32, #tpu.memory_space<hbm>>
    tpu.enqueue_dma source(%dma_start3A_41 : memref<32x256xf32, #tpu.memory_space<hbm>>) target(%arg5 : memref<32x256xf32, #tpu.memory_space<vmem>>) target_semaphore(%arg10 : memref<!tpu.dma_semaphore, #tpu.memory_space<semaphore_mem>>)
    %add3A_42 = arith.constant 0 : i32
    %add3A_43 = arith.addi %mul3A_38, %add3A_42 : i32
    %dma_start3A_44 = arith.constant 0 : i32
    %dma_start3A_45 = tpu.memref_slice %arg3[%add3A_43, %dma_start3A_44] : memref<3072x16xf32, #tpu.memory_space<hbm>> -> memref<32x16xf32, #tpu.memory_space<hbm>>
    %dma_start3A_46 = arith.constant 0 : i32
    %dma_start3A_47 = tpu.memref_slice %arg3[%add3A_43, %dma_start3A_46] : memref<3072x16xf32, #tpu.memory_space<hbm>> -> memref<32x16xf32, #tpu.memory_space<hbm>>
    tpu.enqueue_dma source(%dma_start3A_47 : memref<32x16xf32, #tpu.memory_space<hbm>>) target(%arg7 : memref<32x16xf32, #tpu.memory_space<vmem>>) target_semaphore(%arg12 : memref<!tpu.dma_semaphore, #tpu.memory_space<semaphore_mem>>)
    %add3A_48 = arith.constant 32 : i32
    %add3A_49 = arith.addi %add3A_36, %add3A_48 : i32
    %dma_start3A_50 = tpu.memref_slice %arg2[%add3A_49, %mul3A_32] : memref<8192x4096xf32, #tpu.memory_space<hbm>> -> memref<32x256xf32, #tpu.memory_space<hbm>>
    %dma_start3A_51 = tpu.memref_slice %arg2[%add3A_49, %mul3A_32] : memref<8192x4096xf32, #tpu.memory_space<hbm>> -> memref<32x256xf32, #tpu.memory_space<hbm>>
    tpu.enqueue_dma source(%dma_start3A_51 : memref<32x256xf32, #tpu.memory_space<hbm>>) target(%arg6 : memref<32x256xf32, #tpu.memory_space<vmem>>) target_semaphore(%arg11 : memref<!tpu.dma_semaphore, #tpu.memory_space<semaphore_mem>>)
    %add3A_52 = arith.constant 32 : i32
    %add3A_53 = arith.addi %mul3A_38, %add3A_52 : i32
    %dma_start3A_54 = arith.constant 0 : i32
    %dma_start3A_55 = tpu.memref_slice %arg3[%add3A_53, %dma_start3A_54] : memref<3072x16xf32, #tpu.memory_space<hbm>> -> memref<32x16xf32, #tpu.memory_space<hbm>>
    %dma_start3A_56 = arith.constant 0 : i32
    %dma_start3A_57 = tpu.memref_slice %arg3[%add3A_53, %dma_start3A_56] : memref<3072x16xf32, #tpu.memory_space<hbm>> -> memref<32x16xf32, #tpu.memory_space<hbm>>
    tpu.enqueue_dma source(%dma_start3A_57 : memref<32x16xf32, #tpu.memory_space<hbm>>) target(%arg8 : memref<32x16xf32, #tpu.memory_space<vmem>>) target_semaphore(%arg13 : memref<!tpu.dma_semaphore, #tpu.memory_space<semaphore_mem>>)
    %broadcast_in_dim3A = arith.constant 0.000000e+00 : f32
    %broadcast_in_dim3A_58 = vector.broadcast %broadcast_in_dim3A : f32 to vector<16xf32>
    %broadcast_in_dim3A_59 = arith.constant 0.000000e+00 : f32
    %broadcast_in_dim3A_60 = vector.broadcast %broadcast_in_dim3A_59 : f32 to vector<16xf32>
    %broadcast_in_dim3A_61 = arith.constant 0.000000e+00 : f32
    %broadcast_in_dim3A_62 = vector.broadcast %broadcast_in_dim3A_61 : f32 to vector<16xf32>
    %broadcast_in_dim3A_63 = arith.constant 0.000000e+00 : f32
    %broadcast_in_dim3A_64 = vector.broadcast %broadcast_in_dim3A_63 : f32 to vector<16xf32>
    %broadcast_in_dim3A_65 = arith.constant 0.000000e+00 : f32
    %broadcast_in_dim3A_66 = vector.broadcast %broadcast_in_dim3A_65 : f32 to vector<16xf32>
    %broadcast_in_dim3A_67 = arith.constant 0.000000e+00 : f32
    %broadcast_in_dim3A_68 = vector.broadcast %broadcast_in_dim3A_67 : f32 to vector<16xf32>
    %broadcast_in_dim3A_69 = arith.constant 0.000000e+00 : f32
    %broadcast_in_dim3A_70 = vector.broadcast %broadcast_in_dim3A_69 : f32 to vector<16xf32>
    %broadcast_in_dim3A_71 = arith.constant 0.000000e+00 : f32
    %broadcast_in_dim3A_72 = vector.broadcast %broadcast_in_dim3A_71 : f32 to vector<16xf32>
    %broadcast_in_dim3A_73 = arith.constant 0.000000e+00 : f32
    %broadcast_in_dim3A_74 = vector.broadcast %broadcast_in_dim3A_73 : f32 to vector<16xf32>
    %broadcast_in_dim3A_75 = arith.constant 0.000000e+00 : f32
    %broadcast_in_dim3A_76 = vector.broadcast %broadcast_in_dim3A_75 : f32 to vector<16xf32>
    %broadcast_in_dim3A_77 = arith.constant 0.000000e+00 : f32
    %broadcast_in_dim3A_78 = vector.broadcast %broadcast_in_dim3A_77 : f32 to vector<16xf32>
    %broadcast_in_dim3A_79 = arith.constant 0.000000e+00 : f32
    %broadcast_in_dim3A_80 = vector.broadcast %broadcast_in_dim3A_79 : f32 to vector<16xf32>
    %broadcast_in_dim3A_81 = arith.constant 0.000000e+00 : f32
    %broadcast_in_dim3A_82 = vector.broadcast %broadcast_in_dim3A_81 : f32 to vector<16xf32>
    %broadcast_in_dim3A_83 = arith.constant 0.000000e+00 : f32
    %broadcast_in_dim3A_84 = vector.broadcast %broadcast_in_dim3A_83 : f32 to vector<16xf32>
    %broadcast_in_dim3A_85 = arith.constant 0.000000e+00 : f32
    %broadcast_in_dim3A_86 = vector.broadcast %broadcast_in_dim3A_85 : f32 to vector<16xf32>
    %broadcast_in_dim3A_87 = arith.constant 0.000000e+00 : f32
    %broadcast_in_dim3A_88 = vector.broadcast %broadcast_in_dim3A_87 : f32 to vector<16xf32>
    %scan3A = arith.constant 0 : i32
    %scan3A_89 = arith.constant 24 : i32
    %scan3A_90 = arith.addi %scan3A, %scan3A_89 : i32
    %scan3A_91 = arith.constant 1 : i32
    %scan3A_92:16 = scf.for %scan3A_166 = %scan3A to %scan3A_90 step %scan3A_91 iter_args(%scan3A_167 = %broadcast_in_dim3A_58, %scan3A_168 = %broadcast_in_dim3A_60, %scan3A_169 = %broadcast_in_dim3A_62, %scan3A_170 = %broadcast_in_dim3A_64, %scan3A_171 = %broadcast_in_dim3A_66, %scan3A_172 = %broadcast_in_dim3A_68, %scan3A_173 = %broadcast_in_dim3A_70, %scan3A_174 = %broadcast_in_dim3A_72, %scan3A_175 = %broadcast_in_dim3A_74, %scan3A_176 = %broadcast_in_dim3A_76, %scan3A_177 = %broadcast_in_dim3A_78, %scan3A_178 = %broadcast_in_dim3A_80, %scan3A_179 = %broadcast_in_dim3A_82, %scan3A_180 = %broadcast_in_dim3A_84, %scan3A_181 = %broadcast_in_dim3A_86, %scan3A_182 = %broadcast_in_dim3A_88) -> (vector<16xf32>, vector<16xf32>, vector<16xf32>, vector<16xf32>, vector<16xf32>, vector<16xf32>, vector<16xf32>, vector<16xf32>, vector<16xf32>, vector<16xf32>, vector<16xf32>, vector<16xf32>, vector<16xf32>, vector<16xf32>, vector<16xf32>, vector<16xf32>)  : i32 {
      %mul3A_183 = arith.constant 2 : i32
      %mul3A_184 = arith.muli %mul3A_183, %scan3A_166 : i32
      %mul3A_185 = arith.constant 32 : i32
      %mul3A_186 = arith.muli %mul3A_184, %mul3A_185 : i32
      %add3A_187 = arith.addi %add3A_36, %mul3A_186 : i32
      %dma_wait3A_188 = tpu.memref_slice %arg2[%add3A_187, %mul3A_32] : memref<8192x4096xf32, #tpu.memory_space<hbm>> -> memref<32x256xf32, #tpu.memory_space<hbm>>
      %dma_wait3A_189 = tpu.memref_slice %arg2[%add3A_187, %mul3A_32] : memref<8192x4096xf32, #tpu.memory_space<hbm>> -> memref<32x256xf32, #tpu.memory_space<hbm>>
      tpu.wait_dma2 semaphore(%arg10 : memref<!tpu.dma_semaphore, #tpu.memory_space<semaphore_mem>>) src(%dma_wait3A_189 : memref<32x256xf32, #tpu.memory_space<hbm>>) dst(%arg5 : memref<32x256xf32, #tpu.memory_space<vmem>>)
      %mul3A_190 = arith.constant 32 : i32
      %mul3A_191 = arith.muli %mul3A_184, %mul3A_190 : i32
      %add3A_192 = arith.addi %mul3A_38, %mul3A_191 : i32
      %dma_wait3A_193 = arith.constant 0 : i32
      %dma_wait3A_194 = tpu.memref_slice %arg3[%add3A_192, %dma_wait3A_193] : memref<3072x16xf32, #tpu.memory_space<hbm>> -> memref<32x16xf32, #tpu.memory_space<hbm>>
      %dma_wait3A_195 = arith.constant 0 : i32
      %dma_wait3A_196 = tpu.memref_slice %arg3[%add3A_192, %dma_wait3A_195] : memref<3072x16xf32, #tpu.memory_space<hbm>> -> memref<32x16xf32, #tpu.memory_space<hbm>>
      tpu.wait_dma2 semaphore(%arg12 : memref<!tpu.dma_semaphore, #tpu.memory_space<semaphore_mem>>) src(%dma_wait3A_196 : memref<32x16xf32, #tpu.memory_space<hbm>>) dst(%arg7 : memref<32x16xf32, #tpu.memory_space<vmem>>)
      %get3A = arith.constant 0 : i32
      %get3A_197 = arith.index_cast %get3A : i32 to index
      %get3A_198 = arith.constant 0 : index
      %get3A_199 = tpu.vector_load %arg7[%get3A_197, %get3A_198] {strides = array<i32>} : memref<32x16xf32, #tpu.memory_space<vmem>>, vector<1x16xf32>,
      %get3A_200 = vector.shape_cast %get3A_199 : vector<1x16xf32> to vector<16xf32>
      %get3A_201 = arith.constant 0 : i32
      %get3A_202 = arith.index_cast %get3A_201 : i32 to index
      %get3A_203 = arith.constant 0 : index
      %get3A_204 = tpu.vector_load %arg5[%get3A_202, %get3A_203] {strides = array<i32>} : memref<32x256xf32, #tpu.memory_space<vmem>>, vector<1x16xf32>,
      %get3A_205 = vector.shape_cast %get3A_204 : vector<1x16xf32> to vector<16xf32>
      %mul3A_206 = arith.mulf %get3A_205, %get3A_200 : vector<16xf32>
      %add3A_207 = arith.addf %scan3A_167, %mul3A_206 : vector<16xf32>
      %get3A_208 = arith.constant 0 : i32
      %get3A_209 = arith.index_cast %get3A_208 : i32 to index
      %get3A_210 = arith.constant 16 : index
      %get3A_211 = tpu.vector_load %arg5[%get3A_209, %get3A_210] {strides = array<i32>} : memref<32x256xf32, #tpu.memory_space<vmem>>, vector<1x16xf32>,
      %get3A_212 = vector.shape_cast %get3A_211 : vector<1x16xf32> to vector<16xf32>
      %mul3A_213 = arith.mulf %get3A_212, %get3A_200 : vector<16xf32>
      %add3A_214 = arith.addf %scan3A_168, %mul3A_213 : vector<16xf32>
      %get3A_215 = arith.constant 0 : i32
      %get3A_216 = arith.index_cast %get3A_215 : i32 to index
      %get3A_217 = arith.constant 32 : index
      %get3A_218 = tpu.vector_load %arg5[%get3A_216, %get3A_217] {strides = array<i32>} : memref<32x256xf32, #tpu.memory_space<vmem>>, vector<1x16xf32>,
      %get3A_219 = vector.shape_cast %get3A_218 : vector<1x16xf32> to vector<16xf32>
      %mul3A_220 = arith.mulf %get3A_219, %get3A_200 : vector<16xf32>
      %add3A_221 = arith.addf %scan3A_169, %mul3A_220 : vector<16xf32>
      %get3A_222 = arith.constant 0 : i32
      %get3A_223 = arith.index_cast %get3A_222 : i32 to index
      %get3A_224 = arith.constant 48 : index
      %get3A_225 = tpu.vector_load %arg5[%get3A_223, %get3A_224] {strides = array<i32>} : memref<32x256xf32, #tpu.memory_space<vmem>>, vector<1x16xf32>,
      %get3A_226 = vector.shape_cast %get3A_225 : vector<1x16xf32> to vector<16xf32>
      %mul3A_227 = arith.mulf %get3A_226, %get3A_200 : vector<16xf32>
      %add3A_228 = arith.addf %scan3A_170, %mul3A_227 : vector<16xf32>
      %get3A_229 = arith.constant 0 : i32
      %get3A_230 = arith.index_cast %get3A_229 : i32 to index
      %get3A_231 = arith.constant 64 : index
      %get3A_232 = tpu.vector_load %arg5[%get3A_230, %get3A_231] {strides = array<i32>} : memref<32x256xf32, #tpu.memory_space<vmem>>, vector<1x16xf32>,
      %get3A_233 = vector.shape_cast %get3A_232 : vector<1x16xf32> to vector<16xf32>
      %mul3A_234 = arith.mulf %get3A_233, %get3A_200 : vector<16xf32>
      %add3A_235 = arith.addf %scan3A_171, %mul3A_234 : vector<16xf32>
      %get3A_236 = arith.constant 0 : i32
      %get3A_237 = arith.index_cast %get3A_236 : i32 to index
      %get3A_238 = arith.constant 80 : index
      %get3A_239 = tpu.vector_load %arg5[%get3A_237, %get3A_238] {strides = array<i32>} : memref<32x256xf32, #tpu.memory_space<vmem>>, vector<1x16xf32>,
      %get3A_240 = vector.shape_cast %get3A_239 : vector<1x16xf32> to vector<16xf32>
      %mul3A_241 = arith.mulf %get3A_240, %get3A_200 : vector<16xf32>
      %add3A_242 = arith.addf %scan3A_172, %mul3A_241 : vector<16xf32>
      %get3A_243 = arith.constant 0 : i32
      %get3A_244 = arith.index_cast %get3A_243 : i32 to index
      %get3A_245 = arith.constant 96 : index
      %get3A_246 = tpu.vector_load %arg5[%get3A_244, %get3A_245] {strides = array<i32>} : memref<32x256xf32, #tpu.memory_space<vmem>>, vector<1x16xf32>,
      %get3A_247 = vector.shape_cast %get3A_246 : vector<1x16xf32> to vector<16xf32>
      %mul3A_248 = arith.mulf %get3A_247, %get3A_200 : vector<16xf32>
      %add3A_249 = arith.addf %scan3A_173, %mul3A_248 : vector<16xf32>
      %get3A_250 = arith.constant 0 : i32
      %get3A_251 = arith.index_cast %get3A_250 : i32 to index
      %get3A_252 = arith.constant 112 : index
      %get3A_253 = tpu.vector_load %arg5[%get3A_251, %get3A_252] {strides = array<i32>} : memref<32x256xf32, #tpu.memory_space<vmem>>, vector<1x16xf32>,
      %get3A_254 = vector.shape_cast %get3A_253 : vector<1x16xf32> to vector<16xf32>
      %mul3A_255 = arith.mulf %get3A_254, %get3A_200 : vector<16xf32>
      %add3A_256 = arith.addf %scan3A_174, %mul3A_255 : vector<16xf32>
      %get3A_257 = arith.constant 0 : i32
      %get3A_258 = arith.index_cast %get3A_257 : i32 to index
      %get3A_259 = arith.constant 128 : index
      %get3A_260 = tpu.vector_load %arg5[%get3A_258, %get3A_259] {strides = array<i32>} : memref<32x256xf32, #tpu.memory_space<vmem>>, vector<1x16xf32>,
      %get3A_261 = vector.shape_cast %get3A_260 : vector<1x16xf32> to vector<16xf32>
      %mul3A_262 = arith.mulf %get3A_261, %get3A_200 : vector<16xf32>
      %add3A_263 = arith.addf %scan3A_175, %mul3A_262 : vector<16xf32>
      %get3A_264 = arith.constant 0 : i32
      %get3A_265 = arith.index_cast %get3A_264 : i32 to index
      %get3A_266 = arith.constant 144 : index
      %get3A_267 = tpu.vector_load %arg5[%get3A_265, %get3A_266] {strides = array<i32>} : memref<32x256xf32, #tpu.memory_space<vmem>>, vector<1x16xf32>,
      %get3A_268 = vector.shape_cast %get3A_267 : vector<1x16xf32> to vector<16xf32>
      %mul3A_269 = arith.mulf %get3A_268, %get3A_200 : vector<16xf32>
      %add3A_270 = arith.addf %scan3A_176, %mul3A_269 : vector<16xf32>
      %get3A_271 = arith.constant 0 : i32
      %get3A_272 = arith.index_cast %get3A_271 : i32 to index
      %get3A_273 = arith.constant 160 : index
      %get3A_274 = tpu.vector_load %arg5[%get3A_272, %get3A_273] {strides = array<i32>} : memref<32x256xf32, #tpu.memory_space<vmem>>, vector<1x16xf32>,
      %get3A_275 = vector.shape_cast %get3A_274 : vector<1x16xf32> to vector<16xf32>
      %mul3A_276 = arith.mulf %get3A_275, %get3A_200 : vector<16xf32>
      %add3A_277 = arith.addf %scan3A_177, %mul3A_276 : vector<16xf32>
      %get3A_278 = arith.constant 0 : i32
      %get3A_279 = arith.index_cast %get3A_278 : i32 to index
      %get3A_280 = arith.constant 176 : index
      %get3A_281 = tpu.vector_load %arg5[%get3A_279, %get3A_280] {strides = array<i32>} : memref<32x256xf32, #tpu.memory_space<vmem>>, vector<1x16xf32>,
      %get3A_282 = vector.shape_cast %get3A_281 : vector<1x16xf32> to vector<16xf32>
      %mul3A_283 = arith.mulf %get3A_282, %get3A_200 : vector<16xf32>
      %add3A_284 = arith.addf %scan3A_178, %mul3A_283 : vector<16xf32>
      %get3A_285 = arith.constant 0 : i32
      %get3A_286 = arith.index_cast %get3A_285 : i32 to index
      %get3A_287 = arith.constant 192 : index
      %get3A_288 = tpu.vector_load %arg5[%get3A_286, %get3A_287] {strides = array<i32>} : memref<32x256xf32, #tpu.memory_space<vmem>>, vector<1x16xf32>,
      %get3A_289 = vector.shape_cast %get3A_288 : vector<1x16xf32> to vector<16xf32>
      %mul3A_290 = arith.mulf %get3A_289, %get3A_200 : vector<16xf32>
      %add3A_291 = arith.addf %scan3A_179, %mul3A_290 : vector<16xf32>
      %get3A_292 = arith.constant 0 : i32
      %get3A_293 = arith.index_cast %get3A_292 : i32 to index
      %get3A_294 = arith.constant 208 : index
      %get3A_295 = tpu.vector_load %arg5[%get3A_293, %get3A_294] {strides = array<i32>} : memref<32x256xf32, #tpu.memory_space<vmem>>, vector<1x16xf32>,
      %get3A_296 = vector.shape_cast %get3A_295 : vector<1x16xf32> to vector<16xf32>
      %mul3A_297 = arith.mulf %get3A_296, %get3A_200 : vector<16xf32>
      %add3A_298 = arith.addf %scan3A_180, %mul3A_297 : vector<16xf32>
      %get3A_299 = arith.constant 0 : i32
      %get3A_300 = arith.index_cast %get3A_299 : i32 to index
      %get3A_301 = arith.constant 224 : index
      %get3A_302 = tpu.vector_load %arg5[%get3A_300, %get3A_301] {strides = array<i32>} : memref<32x256xf32, #tpu.memory_space<vmem>>, vector<1x16xf32>,
      %get3A_303 = vector.shape_cast %get3A_302 : vector<1x16xf32> to vector<16xf32>
      %mul3A_304 = arith.mulf %get3A_303, %get3A_200 : vector<16xf32>
      %add3A_305 = arith.addf %scan3A_181, %mul3A_304 : vector<16xf32>
      %get3A_306 = arith.constant 0 : i32
      %get3A_307 = arith.index_cast %get3A_306 : i32 to index
      %get3A_308 = arith.constant 240 : index
      %get3A_309 = tpu.vector_load %arg5[%get3A_307, %get3A_308] {strides = array<i32>} : memref<32x256xf32, #tpu.memory_space<vmem>>, vector<1x16xf32>,
      %get3A_310 = vector.shape_cast %get3A_309 : vector<1x16xf32> to vector<16xf32>
      %mul3A_311 = arith.mulf %get3A_310, %get3A_200 : vector<16xf32>
      %add3A_312 = arith.addf %scan3A_182, %mul3A_311 : vector<16xf32>
      %add3A_313 = arith.constant 2 : i32
      %add3A_314 = arith.addi %mul3A_184, %add3A_313 : i32
      %lt3A_315 = arith.constant 48 : i32
      %lt3A_316 = arith.cmpi slt, %add3A_314, %lt3A_315 : i32
      %convert_element_type3A = arith.extui %lt3A_316 : i1 to i32
      %cond3A = arith.constant 0 : i32
      %cond3A_317 = arith.cmpi ne, %convert_element_type3A, %cond3A : i32
      scf.if %cond3A_317 {
        %add3A_458 = arith.constant 2 : i32
        %add3A_459 = arith.addi %mul3A_184, %add3A_458 : i32
        %mul3A_460 = arith.constant 32 : i32
        %mul3A_461 = arith.muli %add3A_459, %mul3A_460 : i32
        %add3A_462 = arith.addi %add3A_36, %mul3A_461 : i32
        %dma_start3A_463 = tpu.memref_slice %arg2[%add3A_462, %mul3A_32] : memref<8192x4096xf32, #tpu.memory_space<hbm>> -> memref<32x256xf32, #tpu.memory_space<hbm>>
        %dma_start3A_464 = tpu.memref_slice %arg2[%add3A_462, %mul3A_32] : memref<8192x4096xf32, #tpu.memory_space<hbm>> -> memref<32x256xf32, #tpu.memory_space<hbm>>
        tpu.enqueue_dma source(%dma_start3A_464 : memref<32x256xf32, #tpu.memory_space<hbm>>) target(%arg5 : memref<32x256xf32, #tpu.memory_space<vmem>>) target_semaphore(%arg10 : memref<!tpu.dma_semaphore, #tpu.memory_space<semaphore_mem>>)
        %add3A_465 = arith.constant 2 : i32
        %add3A_466 = arith.addi %mul3A_184, %add3A_465 : i32
        %mul3A_467 = arith.constant 32 : i32
        %mul3A_468 = arith.muli %add3A_466, %mul3A_467 : i32
        %add3A_469 = arith.addi %mul3A_38, %mul3A_468 : i32
        %dma_start3A_470 = arith.constant 0 : i32
        %dma_start3A_471 = tpu.memref_slice %arg3[%add3A_469, %dma_start3A_470] : memref<3072x16xf32, #tpu.memory_space<hbm>> -> memref<32x16xf32, #tpu.memory_space<hbm>>
        %dma_start3A_472 = arith.constant 0 : i32
        %dma_start3A_473 = tpu.memref_slice %arg3[%add3A_469, %dma_start3A_472] : memref<3072x16xf32, #tpu.memory_space<hbm>> -> memref<32x16xf32, #tpu.memory_space<hbm>>
        tpu.enqueue_dma source(%dma_start3A_473 : memref<32x16xf32, #tpu.memory_space<hbm>>) target(%arg7 : memref<32x16xf32, #tpu.memory_space<vmem>>) target_semaphore(%arg12 : memref<!tpu.dma_semaphore, #tpu.memory_space<semaphore_mem>>)
      } else {
      }
      %add3A_318 = arith.constant 1 : i32
      %add3A_319 = arith.addi %mul3A_184, %add3A_318 : i32
      %mul3A_320 = arith.constant 32 : i32
      %mul3A_321 = arith.muli %add3A_319, %mul3A_320 : i32
      %add3A_322 = arith.addi %add3A_36, %mul3A_321 : i32
      %dma_wait3A_323 = tpu.memref_slice %arg2[%add3A_322, %mul3A_32] : memref<8192x4096xf32, #tpu.memory_space<hbm>> -> memref<32x256xf32, #tpu.memory_space<hbm>>
      %dma_wait3A_324 = tpu.memref_slice %arg2[%add3A_322, %mul3A_32] : memref<8192x4096xf32, #tpu.memory_space<hbm>> -> memref<32x256xf32, #tpu.memory_space<hbm>>
      tpu.wait_dma2 semaphore(%arg11 : memref<!tpu.dma_semaphore, #tpu.memory_space<semaphore_mem>>) src(%dma_wait3A_324 : memref<32x256xf32, #tpu.memory_space<hbm>>) dst(%arg6 : memref<32x256xf32, #tpu.memory_space<vmem>>)
      %add3A_325 = arith.constant 1 : i32
      %add3A_326 = arith.addi %mul3A_184, %add3A_325 : i32
      %mul3A_327 = arith.constant 32 : i32
      %mul3A_328 = arith.muli %add3A_326, %mul3A_327 : i32
      %add3A_329 = arith.addi %mul3A_38, %mul3A_328 : i32
      %dma_wait3A_330 = arith.constant 0 : i32
      %dma_wait3A_331 = tpu.memref_slice %arg3[%add3A_329, %dma_wait3A_330] : memref<3072x16xf32, #tpu.memory_space<hbm>> -> memref<32x16xf32, #tpu.memory_space<hbm>>
      %dma_wait3A_332 = arith.constant 0 : i32
      %dma_wait3A_333 = tpu.memref_slice %arg3[%add3A_329, %dma_wait3A_332] : memref<3072x16xf32, #tpu.memory_space<hbm>> -> memref<32x16xf32, #tpu.memory_space<hbm>>
      tpu.wait_dma2 semaphore(%arg13 : memref<!tpu.dma_semaphore, #tpu.memory_space<semaphore_mem>>) src(%dma_wait3A_333 : memref<32x16xf32, #tpu.memory_space<hbm>>) dst(%arg8 : memref<32x16xf32, #tpu.memory_space<vmem>>)
      %get3A_334 = arith.constant 0 : i32
      %get3A_335 = arith.index_cast %get3A_334 : i32 to index
      %get3A_336 = arith.constant 0 : index
      %get3A_337 = tpu.vector_load %arg8[%get3A_335, %get3A_336] {strides = array<i32>} : memref<32x16xf32, #tpu.memory_space<vmem>>, vector<1x16xf32>,
      %get3A_338 = vector.shape_cast %get3A_337 : vector<1x16xf32> to vector<16xf32>
      %get3A_339 = arith.constant 0 : i32
      %get3A_340 = arith.index_cast %get3A_339 : i32 to index
      %get3A_341 = arith.constant 0 : index
      %get3A_342 = tpu.vector_load %arg6[%get3A_340, %get3A_341] {strides = array<i32>} : memref<32x256xf32, #tpu.memory_space<vmem>>, vector<1x16xf32>,
      %get3A_343 = vector.shape_cast %get3A_342 : vector<1x16xf32> to vector<16xf32>
      %mul3A_344 = arith.mulf %get3A_343, %get3A_338 : vector<16xf32>
      %add3A_345 = arith.addf %add3A_207, %mul3A_344 : vector<16xf32>
      %get3A_346 = arith.constant 0 : i32
      %get3A_347 = arith.index_cast %get3A_346 : i32 to index
      %get3A_348 = arith.constant 16 : index
      %get3A_349 = tpu.vector_load %arg6[%get3A_347, %get3A_348] {strides = array<i32>} : memref<32x256xf32, #tpu.memory_space<vmem>>, vector<1x16xf32>,
      %get3A_350 = vector.shape_cast %get3A_349 : vector<1x16xf32> to vector<16xf32>
      %mul3A_351 = arith.mulf %get3A_350, %get3A_338 : vector<16xf32>
      %add3A_352 = arith.addf %add3A_214, %mul3A_351 : vector<16xf32>
      %get3A_353 = arith.constant 0 : i32
      %get3A_354 = arith.index_cast %get3A_353 : i32 to index
      %get3A_355 = arith.constant 32 : index
      %get3A_356 = tpu.vector_load %arg6[%get3A_354, %get3A_355] {strides = array<i32>} : memref<32x256xf32, #tpu.memory_space<vmem>>, vector<1x16xf32>,
      %get3A_357 = vector.shape_cast %get3A_356 : vector<1x16xf32> to vector<16xf32>
      %mul3A_358 = arith.mulf %get3A_357, %get3A_338 : vector<16xf32>
      %add3A_359 = arith.addf %add3A_221, %mul3A_358 : vector<16xf32>
      %get3A_360 = arith.constant 0 : i32
      %get3A_361 = arith.index_cast %get3A_360 : i32 to index
      %get3A_362 = arith.constant 48 : index
      %get3A_363 = tpu.vector_load %arg6[%get3A_361, %get3A_362] {strides = array<i32>} : memref<32x256xf32, #tpu.memory_space<vmem>>, vector<1x16xf32>,
      %get3A_364 = vector.shape_cast %get3A_363 : vector<1x16xf32> to vector<16xf32>
      %mul3A_365 = arith.mulf %get3A_364, %get3A_338 : vector<16xf32>
      %add3A_366 = arith.addf %add3A_228, %mul3A_365 : vector<16xf32>
      %get3A_367 = arith.constant 0 : i32
      %get3A_368 = arith.index_cast %get3A_367 : i32 to index
      %get3A_369 = arith.constant 64 : index
      %get3A_370 = tpu.vector_load %arg6[%get3A_368, %get3A_369] {strides = array<i32>} : memref<32x256xf32, #tpu.memory_space<vmem>>, vector<1x16xf32>,
      %get3A_371 = vector.shape_cast %get3A_370 : vector<1x16xf32> to vector<16xf32>
      %mul3A_372 = arith.mulf %get3A_371, %get3A_338 : vector<16xf32>
      %add3A_373 = arith.addf %add3A_235, %mul3A_372 : vector<16xf32>
      %get3A_374 = arith.constant 0 : i32
      %get3A_375 = arith.index_cast %get3A_374 : i32 to index
      %get3A_376 = arith.constant 80 : index
      %get3A_377 = tpu.vector_load %arg6[%get3A_375, %get3A_376] {strides = array<i32>} : memref<32x256xf32, #tpu.memory_space<vmem>>, vector<1x16xf32>,
      %get3A_378 = vector.shape_cast %get3A_377 : vector<1x16xf32> to vector<16xf32>
      %mul3A_379 = arith.mulf %get3A_378, %get3A_338 : vector<16xf32>
      %add3A_380 = arith.addf %add3A_242, %mul3A_379 : vector<16xf32>
      %get3A_381 = arith.constant 0 : i32
      %get3A_382 = arith.index_cast %get3A_381 : i32 to index
      %get3A_383 = arith.constant 96 : index
      %get3A_384 = tpu.vector_load %arg6[%get3A_382, %get3A_383] {strides = array<i32>} : memref<32x256xf32, #tpu.memory_space<vmem>>, vector<1x16xf32>,
      %get3A_385 = vector.shape_cast %get3A_384 : vector<1x16xf32> to vector<16xf32>
      %mul3A_386 = arith.mulf %get3A_385, %get3A_338 : vector<16xf32>
      %add3A_387 = arith.addf %add3A_249, %mul3A_386 : vector<16xf32>
      %get3A_388 = arith.constant 0 : i32
      %get3A_389 = arith.index_cast %get3A_388 : i32 to index
      %get3A_390 = arith.constant 112 : index
      %get3A_391 = tpu.vector_load %arg6[%get3A_389, %get3A_390] {strides = array<i32>} : memref<32x256xf32, #tpu.memory_space<vmem>>, vector<1x16xf32>,
      %get3A_392 = vector.shape_cast %get3A_391 : vector<1x16xf32> to vector<16xf32>
      %mul3A_393 = arith.mulf %get3A_392, %get3A_338 : vector<16xf32>
      %add3A_394 = arith.addf %add3A_256, %mul3A_393 : vector<16xf32>
      %get3A_395 = arith.constant 0 : i32
      %get3A_396 = arith.index_cast %get3A_395 : i32 to index
      %get3A_397 = arith.constant 128 : index
      %get3A_398 = tpu.vector_load %arg6[%get3A_396, %get3A_397] {strides = array<i32>} : memref<32x256xf32, #tpu.memory_space<vmem>>, vector<1x16xf32>,
      %get3A_399 = vector.shape_cast %get3A_398 : vector<1x16xf32> to vector<16xf32>
      %mul3A_400 = arith.mulf %get3A_399, %get3A_338 : vector<16xf32>
      %add3A_401 = arith.addf %add3A_263, %mul3A_400 : vector<16xf32>
      %get3A_402 = arith.constant 0 : i32
      %get3A_403 = arith.index_cast %get3A_402 : i32 to index
      %get3A_404 = arith.constant 144 : index
      %get3A_405 = tpu.vector_load %arg6[%get3A_403, %get3A_404] {strides = array<i32>} : memref<32x256xf32, #tpu.memory_space<vmem>>, vector<1x16xf32>,
      %get3A_406 = vector.shape_cast %get3A_405 : vector<1x16xf32> to vector<16xf32>
      %mul3A_407 = arith.mulf %get3A_406, %get3A_338 : vector<16xf32>
      %add3A_408 = arith.addf %add3A_270, %mul3A_407 : vector<16xf32>
      %get3A_409 = arith.constant 0 : i32
      %get3A_410 = arith.index_cast %get3A_409 : i32 to index
      %get3A_411 = arith.constant 160 : index
      %get3A_412 = tpu.vector_load %arg6[%get3A_410, %get3A_411] {strides = array<i32>} : memref<32x256xf32, #tpu.memory_space<vmem>>, vector<1x16xf32>,
      %get3A_413 = vector.shape_cast %get3A_412 : vector<1x16xf32> to vector<16xf32>
      %mul3A_414 = arith.mulf %get3A_413, %get3A_338 : vector<16xf32>
      %add3A_415 = arith.addf %add3A_277, %mul3A_414 : vector<16xf32>
      %get3A_416 = arith.constant 0 : i32
      %get3A_417 = arith.index_cast %get3A_416 : i32 to index
      %get3A_418 = arith.constant 176 : index
      %get3A_419 = tpu.vector_load %arg6[%get3A_417, %get3A_418] {strides = array<i32>} : memref<32x256xf32, #tpu.memory_space<vmem>>, vector<1x16xf32>,
      %get3A_420 = vector.shape_cast %get3A_419 : vector<1x16xf32> to vector<16xf32>
      %mul3A_421 = arith.mulf %get3A_420, %get3A_338 : vector<16xf32>
      %add3A_422 = arith.addf %add3A_284, %mul3A_421 : vector<16xf32>
      %get3A_423 = arith.constant 0 : i32
      %get3A_424 = arith.index_cast %get3A_423 : i32 to index
      %get3A_425 = arith.constant 192 : index
      %get3A_426 = tpu.vector_load %arg6[%get3A_424, %get3A_425] {strides = array<i32>} : memref<32x256xf32, #tpu.memory_space<vmem>>, vector<1x16xf32>,
      %get3A_427 = vector.shape_cast %get3A_426 : vector<1x16xf32> to vector<16xf32>
      %mul3A_428 = arith.mulf %get3A_427, %get3A_338 : vector<16xf32>
      %add3A_429 = arith.addf %add3A_291, %mul3A_428 : vector<16xf32>
      %get3A_430 = arith.constant 0 : i32
      %get3A_431 = arith.index_cast %get3A_430 : i32 to index
      %get3A_432 = arith.constant 208 : index
      %get3A_433 = tpu.vector_load %arg6[%get3A_431, %get3A_432] {strides = array<i32>} : memref<32x256xf32, #tpu.memory_space<vmem>>, vector<1x16xf32>,
      %get3A_434 = vector.shape_cast %get3A_433 : vector<1x16xf32> to vector<16xf32>
      %mul3A_435 = arith.mulf %get3A_434, %get3A_338 : vector<16xf32>
      %add3A_436 = arith.addf %add3A_298, %mul3A_435 : vector<16xf32>
      %get3A_437 = arith.constant 0 : i32
      %get3A_438 = arith.index_cast %get3A_437 : i32 to index
      %get3A_439 = arith.constant 224 : index
      %get3A_440 = tpu.vector_load %arg6[%get3A_438, %get3A_439] {strides = array<i32>} : memref<32x256xf32, #tpu.memory_space<vmem>>, vector<1x16xf32>,
      %get3A_441 = vector.shape_cast %get3A_440 : vector<1x16xf32> to vector<16xf32>
      %mul3A_442 = arith.mulf %get3A_441, %get3A_338 : vector<16xf32>
      %add3A_443 = arith.addf %add3A_305, %mul3A_442 : vector<16xf32>
      %get3A_444 = arith.constant 0 : i32
      %get3A_445 = arith.index_cast %get3A_444 : i32 to index
      %get3A_446 = arith.constant 240 : index
      %get3A_447 = tpu.vector_load %arg6[%get3A_445, %get3A_446] {strides = array<i32>} : memref<32x256xf32, #tpu.memory_space<vmem>>, vector<1x16xf32>,
      %get3A_448 = vector.shape_cast %get3A_447 : vector<1x16xf32> to vector<16xf32>
      %mul3A_449 = arith.mulf %get3A_448, %get3A_338 : vector<16xf32>
      %add3A_450 = arith.addf %add3A_312, %mul3A_449 : vector<16xf32>
      %add3A_451 = arith.constant 3 : i32
      %add3A_452 = arith.addi %mul3A_184, %add3A_451 : i32
      %lt3A_453 = arith.constant 48 : i32
      %lt3A_454 = arith.cmpi slt, %add3A_452, %lt3A_453 : i32
      %convert_element_type3A_455 = arith.extui %lt3A_454 : i1 to i32
      %cond3A_456 = arith.constant 0 : i32
      %cond3A_457 = arith.cmpi ne, %convert_element_type3A_455, %cond3A_456 : i32
      scf.if %cond3A_457 {
        %add3A_458 = arith.constant 3 : i32
        %add3A_459 = arith.addi %mul3A_184, %add3A_458 : i32
        %mul3A_460 = arith.constant 32 : i32
        %mul3A_461 = arith.muli %add3A_459, %mul3A_460 : i32
        %add3A_462 = arith.addi %add3A_36, %mul3A_461 : i32
        %dma_start3A_463 = tpu.memref_slice %arg2[%add3A_462, %mul3A_32] : memref<8192x4096xf32, #tpu.memory_space<hbm>> -> memref<32x256xf32, #tpu.memory_space<hbm>>
        %dma_start3A_464 = tpu.memref_slice %arg2[%add3A_462, %mul3A_32] : memref<8192x4096xf32, #tpu.memory_space<hbm>> -> memref<32x256xf32, #tpu.memory_space<hbm>>
        tpu.enqueue_dma source(%dma_start3A_464 : memref<32x256xf32, #tpu.memory_space<hbm>>) target(%arg6 : memref<32x256xf32, #tpu.memory_space<vmem>>) target_semaphore(%arg11 : memref<!tpu.dma_semaphore, #tpu.memory_space<semaphore_mem>>)
        %add3A_465 = arith.constant 3 : i32
        %add3A_466 = arith.addi %mul3A_184, %add3A_465 : i32
        %mul3A_467 = arith.constant 32 : i32
        %mul3A_468 = arith.muli %add3A_466, %mul3A_467 : i32
        %add3A_469 = arith.addi %mul3A_38, %mul3A_468 : i32
        %dma_start3A_470 = arith.constant 0 : i32
        %dma_start3A_471 = tpu.memref_slice %arg3[%add3A_469, %dma_start3A_470] : memref<3072x16xf32, #tpu.memory_space<hbm>> -> memref<32x16xf32, #tpu.memory_space<hbm>>
        %dma_start3A_472 = arith.constant 0 : i32
        %dma_start3A_473 = tpu.memref_slice %arg3[%add3A_469, %dma_start3A_472] : memref<3072x16xf32, #tpu.memory_space<hbm>> -> memref<32x16xf32, #tpu.memory_space<hbm>>
        tpu.enqueue_dma source(%dma_start3A_473 : memref<32x16xf32, #tpu.memory_space<hbm>>) target(%arg8 : memref<32x16xf32, #tpu.memory_space<vmem>>) target_semaphore(%arg13 : memref<!tpu.dma_semaphore, #tpu.memory_space<semaphore_mem>>)
      } else {
      }
      scf.yield %add3A_345, %add3A_352, %add3A_359, %add3A_366, %add3A_373, %add3A_380, %add3A_387, %add3A_394, %add3A_401, %add3A_408, %add3A_415, %add3A_422, %add3A_429, %add3A_436, %add3A_443, %add3A_450 : vector<16xf32>, vector<16xf32>, vector<16xf32>, vector<16xf32>, vector<16xf32>, vector<16xf32>, vector<16xf32>, vector<16xf32>, vector<16xf32>, vector<16xf32>, vector<16xf32>, vector<16xf32>, vector<16xf32>, vector<16xf32>, vector<16xf32>, vector<16xf32>
    }
    %scan3A_93 = arith.constant 24 : i32
    %swap3A = arith.constant 0 : index
    %swap3A_94 = tpu.vector_load %arg9[%swap3A] {strides = array<i32>} : memref<256xf32, #tpu.memory_space<vmem>>, vector<16xf32>,
    %swap3A_95 = vector.shape_cast %swap3A_94 : vector<16xf32> to vector<16xf32>
    %swap3A_96 = vector.shape_cast %scan3A_92#0 : vector<16xf32> to vector<16xf32>
    tpu.vector_store %arg9[%swap3A], %swap3A_96 {strides = array<i32>} : memref<256xf32, #tpu.memory_space<vmem>>, vector<16xf32>,
    %swap3A_97 = arith.constant 16 : index
    %swap3A_98 = tpu.vector_load %arg9[%swap3A_97] {strides = array<i32>} : memref<256xf32, #tpu.memory_space<vmem>>, vector<16xf32>,
    %swap3A_99 = vector.shape_cast %swap3A_98 : vector<16xf32> to vector<16xf32>
    %swap3A_100 = vector.shape_cast %scan3A_92#1 : vector<16xf32> to vector<16xf32>
    tpu.vector_store %arg9[%swap3A_97], %swap3A_100 {strides = array<i32>} : memref<256xf32, #tpu.memory_space<vmem>>, vector<16xf32>,
    %swap3A_101 = arith.constant 32 : index
    %swap3A_102 = tpu.vector_load %arg9[%swap3A_101] {strides = array<i32>} : memref<256xf32, #tpu.memory_space<vmem>>, vector<16xf32>,
    %swap3A_103 = vector.shape_cast %swap3A_102 : vector<16xf32> to vector<16xf32>
    %swap3A_104 = vector.shape_cast %scan3A_92#2 : vector<16xf32> to vector<16xf32>
    tpu.vector_store %arg9[%swap3A_101], %swap3A_104 {strides = array<i32>} : memref<256xf32, #tpu.memory_space<vmem>>, vector<16xf32>,
    %swap3A_105 = arith.constant 48 : index
    %swap3A_106 = tpu.vector_load %arg9[%swap3A_105] {strides = array<i32>} : memref<256xf32, #tpu.memory_space<vmem>>, vector<16xf32>,
    %swap3A_107 = vector.shape_cast %swap3A_106 : vector<16xf32> to vector<16xf32>
    %swap3A_108 = vector.shape_cast %scan3A_92#3 : vector<16xf32> to vector<16xf32>
    tpu.vector_store %arg9[%swap3A_105], %swap3A_108 {strides = array<i32>} : memref<256xf32, #tpu.memory_space<vmem>>, vector<16xf32>,
    %swap3A_109 = arith.constant 64 : index
    %swap3A_110 = tpu.vector_load %arg9[%swap3A_109] {strides = array<i32>} : memref<256xf32, #tpu.memory_space<vmem>>, vector<16xf32>,
    %swap3A_111 = vector.shape_cast %swap3A_110 : vector<16xf32> to vector<16xf32>
    %swap3A_112 = vector.shape_cast %scan3A_92#4 : vector<16xf32> to vector<16xf32>
    tpu.vector_store %arg9[%swap3A_109], %swap3A_112 {strides = array<i32>} : memref<256xf32, #tpu.memory_space<vmem>>, vector<16xf32>,
    %swap3A_113 = arith.constant 80 : index
    %swap3A_114 = tpu.vector_load %arg9[%swap3A_113] {strides = array<i32>} : memref<256xf32, #tpu.memory_space<vmem>>, vector<16xf32>,
    %swap3A_115 = vector.shape_cast %swap3A_114 : vector<16xf32> to vector<16xf32>
    %swap3A_116 = vector.shape_cast %scan3A_92#5 : vector<16xf32> to vector<16xf32>
    tpu.vector_store %arg9[%swap3A_113], %swap3A_116 {strides = array<i32>} : memref<256xf32, #tpu.memory_space<vmem>>, vector<16xf32>,
    %swap3A_117 = arith.constant 96 : index
    %swap3A_118 = tpu.vector_load %arg9[%swap3A_117] {strides = array<i32>} : memref<256xf32, #tpu.memory_space<vmem>>, vector<16xf32>,
    %swap3A_119 = vector.shape_cast %swap3A_118 : vector<16xf32> to vector<16xf32>
    %swap3A_120 = vector.shape_cast %scan3A_92#6 : vector<16xf32> to vector<16xf32>
    tpu.vector_store %arg9[%swap3A_117], %swap3A_120 {strides = array<i32>} : memref<256xf32, #tpu.memory_space<vmem>>, vector<16xf32>,
    %swap3A_121 = arith.constant 112 : index
    %swap3A_122 = tpu.vector_load %arg9[%swap3A_121] {strides = array<i32>} : memref<256xf32, #tpu.memory_space<vmem>>, vector<16xf32>,
    %swap3A_123 = vector.shape_cast %swap3A_122 : vector<16xf32> to vector<16xf32>
    %swap3A_124 = vector.shape_cast %scan3A_92#7 : vector<16xf32> to vector<16xf32>
    tpu.vector_store %arg9[%swap3A_121], %swap3A_124 {strides = array<i32>} : memref<256xf32, #tpu.memory_space<vmem>>, vector<16xf32>,
    %swap3A_125 = arith.constant 128 : index
    %swap3A_126 = tpu.vector_load %arg9[%swap3A_125] {strides = array<i32>} : memref<256xf32, #tpu.memory_space<vmem>>, vector<16xf32>,
    %swap3A_127 = vector.shape_cast %swap3A_126 : vector<16xf32> to vector<16xf32>
    %swap3A_128 = vector.shape_cast %scan3A_92#8 : vector<16xf32> to vector<16xf32>
    tpu.vector_store %arg9[%swap3A_125], %swap3A_128 {strides = array<i32>} : memref<256xf32, #tpu.memory_space<vmem>>, vector<16xf32>,
    %swap3A_129 = arith.constant 144 : index
    %swap3A_130 = tpu.vector_load %arg9[%swap3A_129] {strides = array<i32>} : memref<256xf32, #tpu.memory_space<vmem>>, vector<16xf32>,
    %swap3A_131 = vector.shape_cast %swap3A_130 : vector<16xf32> to vector<16xf32>
    %swap3A_132 = vector.shape_cast %scan3A_92#9 : vector<16xf32> to vector<16xf32>
    tpu.vector_store %arg9[%swap3A_129], %swap3A_132 {strides = array<i32>} : memref<256xf32, #tpu.memory_space<vmem>>, vector<16xf32>,
    %swap3A_133 = arith.constant 160 : index
    %swap3A_134 = tpu.vector_load %arg9[%swap3A_133] {strides = array<i32>} : memref<256xf32, #tpu.memory_space<vmem>>, vector<16xf32>,
    %swap3A_135 = vector.shape_cast %swap3A_134 : vector<16xf32> to vector<16xf32>
    %swap3A_136 = vector.shape_cast %scan3A_92#10 : vector<16xf32> to vector<16xf32>
    tpu.vector_store %arg9[%swap3A_133], %swap3A_136 {strides = array<i32>} : memref<256xf32, #tpu.memory_space<vmem>>, vector<16xf32>,
    %swap3A_137 = arith.constant 176 : index
    %swap3A_138 = tpu.vector_load %arg9[%swap3A_137] {strides = array<i32>} : memref<256xf32, #tpu.memory_space<vmem>>, vector<16xf32>,
    %swap3A_139 = vector.shape_cast %swap3A_138 : vector<16xf32> to vector<16xf32>
    %swap3A_140 = vector.shape_cast %scan3A_92#11 : vector<16xf32> to vector<16xf32>
    tpu.vector_store %arg9[%swap3A_137], %swap3A_140 {strides = array<i32>} : memref<256xf32, #tpu.memory_space<vmem>>, vector<16xf32>,
    %swap3A_141 = arith.constant 192 : index
    %swap3A_142 = tpu.vector_load %arg9[%swap3A_141] {strides = array<i32>} : memref<256xf32, #tpu.memory_space<vmem>>, vector<16xf32>,
    %swap3A_143 = vector.shape_cast %swap3A_142 : vector<16xf32> to vector<16xf32>
    %swap3A_144 = vector.shape_cast %scan3A_92#12 : vector<16xf32> to vector<16xf32>
    tpu.vector_store %arg9[%swap3A_141], %swap3A_144 {strides = array<i32>} : memref<256xf32, #tpu.memory_space<vmem>>, vector<16xf32>,
    %swap3A_145 = arith.constant 208 : index
    %swap3A_146 = tpu.vector_load %arg9[%swap3A_145] {strides = array<i32>} : memref<256xf32, #tpu.memory_space<vmem>>, vector<16xf32>,
    %swap3A_147 = vector.shape_cast %swap3A_146 : vector<16xf32> to vector<16xf32>
    %swap3A_148 = vector.shape_cast %scan3A_92#13 : vector<16xf32> to vector<16xf32>
    tpu.vector_store %arg9[%swap3A_145], %swap3A_148 {strides = array<i32>} : memref<256xf32, #tpu.memory_space<vmem>>, vector<16xf32>,
    %swap3A_149 = arith.constant 224 : index
    %swap3A_150 = tpu.vector_load %arg9[%swap3A_149] {strides = array<i32>} : memref<256xf32, #tpu.memory_space<vmem>>, vector<16xf32>,
    %swap3A_151 = vector.shape_cast %swap3A_150 : vector<16xf32> to vector<16xf32>
    %swap3A_152 = vector.shape_cast %scan3A_92#14 : vector<16xf32> to vector<16xf32>
    tpu.vector_store %arg9[%swap3A_149], %swap3A_152 {strides = array<i32>} : memref<256xf32, #tpu.memory_space<vmem>>, vector<16xf32>,
    %swap3A_153 = arith.constant 240 : index
    %swap3A_154 = tpu.vector_load %arg9[%swap3A_153] {strides = array<i32>} : memref<256xf32, #tpu.memory_space<vmem>>, vector<16xf32>,
    %swap3A_155 = vector.shape_cast %swap3A_154 : vector<16xf32> to vector<16xf32>
    %swap3A_156 = vector.shape_cast %scan3A_92#15 : vector<16xf32> to vector<16xf32>
    tpu.vector_store %arg9[%swap3A_153], %swap3A_156 {strides = array<i32>} : memref<256xf32, #tpu.memory_space<vmem>>, vector<16xf32>,
    %mul3A_157 = arith.constant 4096 : i32
    %mul3A_158 = arith.muli %select_n3A, %mul3A_157 : i32
    %add3A_159 = arith.addi %mul3A_158, %mul3A_32 : i32
    %dma_start3A_160 = tpu.memref_slice %arg4[%add3A_159] : memref<8192xf32, #tpu.memory_space<hbm>> -> memref<256xf32, #tpu.memory_space<hbm>>
    %dma_start3A_161 = tpu.memref_slice %arg4[%add3A_159] : memref<8192xf32, #tpu.memory_space<hbm>> -> memref<256xf32, #tpu.memory_space<hbm>>
    tpu.enqueue_dma source(%arg9 : memref<256xf32, #tpu.memory_space<vmem>>) target(%dma_start3A_161 : memref<256xf32, #tpu.memory_space<hbm>>) target_semaphore(%arg14 : memref<!tpu.dma_semaphore, #tpu.memory_space<semaphore_mem>>)
    %mul3A_162 = arith.constant 4096 : i32
    %mul3A_163 = arith.muli %select_n3A, %mul3A_162 : i32
    %add3A_164 = arith.addi %mul3A_163, %mul3A_32 : i32
    %dma_wait3A = tpu.memref_slice %arg4[%add3A_164] : memref<8192xf32, #tpu.memory_space<hbm>> -> memref<256xf32, #tpu.memory_space<hbm>>
    %dma_wait3A_165 = tpu.memref_slice %arg4[%add3A_164] : memref<8192xf32, #tpu.memory_space<hbm>> -> memref<256xf32, #tpu.memory_space<hbm>>
    tpu.wait_dma2 semaphore(%arg14 : memref<!tpu.dma_semaphore, #tpu.memory_space<semaphore_mem>>) src(%arg9 : memref<256xf32, #tpu.memory_space<vmem>>) dst(%dma_wait3A_165 : memref<256xf32, #tpu.memory_space<hbm>>)
    return
  }
}

module attributes {stable_mosaic.version = 14 : i64} {
  func.func @_tc_partial_kernel(%arg0: i32, %arg1: memref<2x256x4096xf32, #tpu.memory_space<vmem>>, %arg2: memref<2x4096xf32, #tpu.memory_space<vmem>>, %arg3: memref<2x4096xf32, #tpu.memory_space<vmem>>) attributes {dimension_semantics = [#tpu.dimension_semantics<arbitrary>], iteration_bounds = array<i64: 10>, scalar_prefetch = 0 : i64, scratch_operands = 0 : i64, tpu.core_type = #tpu.core_type<tc>, window_params = [{transform_indices = @transform_0, window_bounds = array<i64: 2, 256, 4096>}, {pipeline_mode = #tpu.pipeline_mode<synchronous>, transform_indices = @transform_1, window_bounds = array<i64: 2, 4096>}, {pipeline_mode = #tpu.pipeline_mode<synchronous>, transform_indices = @transform_2, window_bounds = array<i64: 2, 4096>}]} {
    %eq3A = arith.constant 0 : i32
    %eq3A_0 = arith.cmpi eq, %arg0, %eq3A : i32
    %convert_element_type3A = arith.extui %eq3A_0 : i1 to i32
    %cond3A = arith.constant 0 : i32
    %cond3A_1 = arith.cmpi ne, %convert_element_type3A, %cond3A : i32
    scf.if %cond3A_1 {
      %broadcast_in_dim3A_17 = arith.constant 0.000000e+00 : f32
      %broadcast_in_dim3A_18 = vector.broadcast %broadcast_in_dim3A_17 : f32 to vector<2x4096xf32>
      %swap3A_19 = arith.constant 0 : index
      %swap3A_20 = arith.constant 0 : index
      %swap3A_21 = vector.load %arg3[%swap3A_19, %swap3A_20] : memref<2x4096xf32, #tpu.memory_space<vmem>>, vector<2x4096xf32>
      tpu.vector_store %arg3[%swap3A_19, %swap3A_20], %broadcast_in_dim3A_18 {strides = array<i32>} : memref<2x4096xf32, #tpu.memory_space<vmem>>, vector<2x4096xf32>,
    } else {
    }
    %mul3A = arith.constant 256 : i32
    %mul3A_2 = arith.muli %arg0, %mul3A : i32
    %get3A = arith.constant 0 : index
    %get3A_3 = arith.index_cast %mul3A_2 : i32 to index
    %get3A_4 = vector.load %arg2[%get3A, %get3A_3] : memref<2x4096xf32, #tpu.memory_space<vmem>>, vector<2x256xf32>
    %get3A_5 = arith.constant 0 : index
    %get3A_6 = arith.constant 0 : index
    %get3A_7 = vector.load %arg3[%get3A_5, %get3A_6] : memref<2x4096xf32, #tpu.memory_space<vmem>>, vector<2x4096xf32>
    %get3A_8 = arith.constant 0 : index
    %get3A_9 = arith.constant 0 : index
    %get3A_10 = arith.constant 0 : index
    %get3A_11 = vector.load %arg1[%get3A_8, %get3A_9, %get3A_10] : memref<2x256x4096xf32, #tpu.memory_space<vmem>>, vector<2x256x4096xf32>
    %broadcast_in_dim3A = vector.shape_cast %get3A_4 : vector<2x256xf32> to vector<2x256x1xf32>
    %mul3A_12 = vector.broadcast %broadcast_in_dim3A : vector<2x256x1xf32> to vector<2x256x4096xf32>
    %mul3A_13 = arith.mulf %get3A_11, %mul3A_12 : vector<2x256x4096xf32>
    %reduce_sum3A = arith.constant dense<0.000000e+00> : vector<2x4096xf32>
    %reduce_sum3A_14 = vector.multi_reduction <add>, %mul3A_13, %reduce_sum3A [1] : vector<2x256x4096xf32> to vector<2x4096xf32>
    %add3A = arith.addf %get3A_7, %reduce_sum3A_14 : vector<2x4096xf32>
    %swap3A = arith.constant 0 : index
    %swap3A_15 = arith.constant 0 : index
    %swap3A_16 = vector.load %arg3[%swap3A, %swap3A_15] : memref<2x4096xf32, #tpu.memory_space<vmem>>, vector<2x4096xf32>
    tpu.vector_store %arg3[%swap3A, %swap3A_15], %add3A {strides = array<i32>} : memref<2x4096xf32, #tpu.memory_space<vmem>>, vector<2x4096xf32>,
    return
  }
  func.func @transform_0(%arg0: i32) -> (i32, i32, i32) {
    %c0_i32 = arith.constant 0 : i32
    %c0_i32_0 = arith.constant 0 : i32
    %c0_i32_1 = arith.constant 0 : i32
    return %c0_i32, %arg0, %c0_i32_0 : i32, i32, i32
  }
  func.func @transform_1(%arg0: i32) -> (i32, i32) {
    %c0_i32 = arith.constant 0 : i32
    %c0_i32_0 = arith.constant 0 : i32
    %c0_i32_1 = arith.constant 0 : i32
    return %c0_i32, %c0_i32_0 : i32, i32
  }
  func.func @transform_2(%arg0: i32) -> (i32, i32) {
    %c0_i32 = arith.constant 0 : i32
    %c0_i32_0 = arith.constant 0 : i32
    %c0_i32_1 = arith.constant 0 : i32
    return %c0_i32, %c0_i32_0 : i32, i32
  }
}

module attributes {stable_mosaic.version = 14 : i64} {
  func.func @_head_kernel(%arg0: memref<2x4096xf32, #tpu.memory_space<vmem>>, %arg1: memref<2x4096xf32, #tpu.memory_space<vmem>>, %arg2: memref<120x4096xf32, #tpu.memory_space<vmem>>, %arg3: memref<1x120xf32, #tpu.memory_space<vmem>>, %arg4: memref<2x120xi32, #tpu.memory_space<vmem>>, %arg5: memref<2x120xf32, #tpu.memory_space<vmem>>, %arg6: memref<2x2xi32, #tpu.memory_space<vmem>>, %arg7: memref<2x1xi32, #tpu.memory_space<vmem>>) attributes {dimension_semantics = [], scalar_prefetch = 0 : i64, scratch_operands = 0 : i64, tpu.core_type = #tpu.core_type<tc>} {
    %get3A = arith.constant 0 : index
    %get3A_0 = arith.constant 0 : index
    %get3A_1 = vector.load %arg0[%get3A, %get3A_0] : memref<2x4096xf32, #tpu.memory_space<vmem>>, vector<2x4096xf32>
    %get3A_2 = arith.constant 0 : index
    %get3A_3 = arith.constant 0 : index
    %get3A_4 = vector.load %arg1[%get3A_2, %get3A_3] : memref<2x4096xf32, #tpu.memory_space<vmem>>, vector<2x4096xf32>
    %add3A = arith.addf %get3A_1, %get3A_4 : vector<2x4096xf32>
    %get3A_5 = arith.constant 0 : index
    %get3A_6 = arith.constant 0 : index
    %get3A_7 = vector.load %arg2[%get3A_5, %get3A_6] : memref<120x4096xf32, #tpu.memory_space<vmem>>, vector<120x4096xf32>
    %dot_general3A = arith.constant dense<0.000000e+00> : vector<2x120xf32>
    %dot_general3A_8 = tpu.matmul %add3A, %get3A_7, %dot_general3A {dimension_numbers = #tpu.dot_dimension_numbers<[1], [1], [0], [0], [0, 0, 1, 0], [], []>, transpose_lhs_hint = false} : vector<2x4096xf32>, vector<120x4096xf32>, vector<2x120xf32> -> vector<2x120xf32>
    %get3A_9 = arith.constant 0 : index
    %get3A_10 = arith.constant 0 : index
    %get3A_11 = vector.load %arg3[%get3A_9, %get3A_10] : memref<1x120xf32, #tpu.memory_space<vmem>>, vector<1x120xf32>
    %add3A_12 = vector.broadcast %get3A_11 : vector<1x120xf32> to vector<2x120xf32>
    %add3A_13 = arith.addf %dot_general3A_8, %add3A_12 : vector<2x120xf32>
    %reduce_max3A = arith.constant dense<0xFF800000> : vector<2xf32>
    %reduce_max3A_14 = vector.multi_reduction <maximumf>, %add3A_13, %reduce_max3A [1] : vector<2x120xf32> to vector<2xf32>
    %broadcast_in_dim3A = vector.shape_cast %reduce_max3A_14 : vector<2xf32> to vector<2x1xf32>
    %sub3A = vector.broadcast %broadcast_in_dim3A : vector<2x1xf32> to vector<2x120xf32>
    %sub3A_15 = arith.subf %add3A_13, %sub3A : vector<2x120xf32>
    %exp3A = math.exp %sub3A_15 : vector<2x120xf32>
    %reduce_sum3A = arith.constant dense<0.000000e+00> : vector<2xf32>
    %reduce_sum3A_16 = vector.multi_reduction <add>, %exp3A, %reduce_sum3A [1] : vector<2x120xf32> to vector<2xf32>
    %broadcast_in_dim3A_17 = vector.shape_cast %reduce_sum3A_16 : vector<2xf32> to vector<2x1xf32>
    %log3A = math.log %broadcast_in_dim3A_17 : vector<2x1xf32>
    %sub3A_18 = vector.broadcast %log3A : vector<2x1xf32> to vector<2x120xf32>
    %sub3A_19 = arith.subf %sub3A_15, %sub3A_18 : vector<2x120xf32>
    %swap3A = arith.constant 0 : index
    %swap3A_20 = arith.constant 0 : index
    %swap3A_21 = vector.load %arg5[%swap3A, %swap3A_20] : memref<2x120xf32, #tpu.memory_space<vmem>>, vector<2x120xf32>
    tpu.vector_store %arg5[%swap3A, %swap3A_20], %sub3A_19 {strides = array<i32>} : memref<2x120xf32, #tpu.memory_space<vmem>>, vector<2x120xf32>,
    %iota3A = tpu.iota {dimensions = array<i32: 1>} : vector<2x120xi32>
    %eq3A = vector.broadcast %broadcast_in_dim3A : vector<2x1xf32> to vector<2x120xf32>
    %eq3A_22 = arith.cmpf oeq, %add3A_13, %eq3A : vector<2x120xf32>
    %jit3A = arith.constant 120 : i32
    %broadcast_in_dim3A_23 = vector.broadcast %jit3A : i32 to vector<2x120xi32>
    %select_n3A = arith.select %eq3A_22, %iota3A, %broadcast_in_dim3A_23 : vector<2x120xi1>, vector<2x120xi32>
    %reduce_min3A = arith.constant dense<2147483647> : vector<2xi32>
    %reduce_min3A_24 = vector.multi_reduction <minsi>, %select_n3A, %reduce_min3A [1] : vector<2x120xi32> to vector<2xi32>
    %broadcast_in_dim3A_25 = vector.shape_cast %reduce_min3A_24 : vector<2xi32> to vector<2x1xi32>
    %swap3A_26 = arith.constant 0 : index
    %swap3A_27 = arith.constant 0 : index
    %swap3A_28 = vector.load %arg7[%swap3A_26, %swap3A_27] : memref<2x1xi32, #tpu.memory_space<vmem>>, vector<2x1xi32>
    tpu.vector_store %arg7[%swap3A_26, %swap3A_27], %broadcast_in_dim3A_25 {strides = array<i32>} : memref<2x1xi32, #tpu.memory_space<vmem>>, vector<2x1xi32>,
    %eq3A_29 = vector.broadcast %broadcast_in_dim3A_25 : vector<2x1xi32> to vector<2x120xi32>
    %eq3A_30 = arith.cmpi eq, %iota3A, %eq3A_29 : vector<2x120xi32>
    %convert_element_type3A = arith.extui %eq3A_30 : vector<2x120xi1> to vector<2x120xi32>
    %broadcast_in_dim3A_31 = vector.shape_cast %convert_element_type3A : vector<2x120xi32> to vector<2x1x120xi32>
    %get3A_32 = arith.constant 0 : index
    %get3A_33 = arith.constant 0 : index
    %get3A_34 = vector.load %arg4[%get3A_32, %get3A_33] : memref<2x120xi32, #tpu.memory_space<vmem>>, vector<2x120xi32>
    %broadcast_in_dim3A_35 = vector.shape_cast %get3A_34 : vector<2x120xi32> to vector<1x2x120xi32>
    %mul3A = vector.broadcast %broadcast_in_dim3A_31 : vector<2x1x120xi32> to vector<2x2x120xi32>
    %mul3A_36 = vector.broadcast %broadcast_in_dim3A_35 : vector<1x2x120xi32> to vector<2x2x120xi32>
    %mul3A_37 = arith.muli %mul3A, %mul3A_36 : vector<2x2x120xi32>
    %reduce_sum3A_38 = arith.constant dense<0> : vector<2x2xi32>
    %reduce_sum3A_39 = vector.multi_reduction <add>, %mul3A_37, %reduce_sum3A_38 [2] : vector<2x2x120xi32> to vector<2x2xi32>
    %swap3A_40 = arith.constant 0 : index
    %swap3A_41 = arith.constant 0 : index
    %swap3A_42 = vector.load %arg6[%swap3A_40, %swap3A_41] : memref<2x2xi32, #tpu.memory_space<vmem>>, vector<2x2xi32>
    tpu.vector_store %arg6[%swap3A_40, %swap3A_41], %reduce_sum3A_39 {strides = array<i32>} : memref<2x2xi32, #tpu.memory_space<vmem>>, vector<2x2xi32>,
    return
  }
}

</mosaic_0001>

<sc_bundles>
// kernel: kernel.5.cloned.1.call-start
scs
__scs_entry_jumppad:
0x0: {  	(pc) =	sbr.rel $0x88, $3  }
0x1: {  	(tag) =	ssettag $0x0;
	lr =	simm.s32 $0x1  }
0x2: {  	[smem:$0x3F9D] =	sst lr;
	_ =	strace $0xD0000000  }
0x3: {  	_ = 	snop  }
0x4: {  	_ = 	snop  }
0x5: {  	_ = 	snop  }
0x6: {  	_ = 	snop  }
0x7: {  	_ = 	snop  }
__scs_overlays_trampoline_lowered:
0x8: {  	[smem:$0x3FAC] =	sst s0  }
0x9: {  	[smem:$0x3FAD] =	sst s1  }
0xa: {  	[smem:$0x3FAE] =	sst s2  }
0xb: {  	[smem:$0x3FAF] =	sst s3  }
0xc: {  	[smem:$0x3FB0] =	sst s4  }
0xd: {  	[smem:$0x3FB1] =	sst s5  }
0xe: {  	[smem:$0x3FB2] =	sst s6  }
0xf: {  	[smem:$0x3FB3] =	sst s7  }
0x10: {  	[smem:$0x3FB4] =	sst s8  }
0x11: {  	[smem:$0x3FB5] =	sst s9;
	s0 =	simm.s32 @!p0 $0x0  }
0x12: {  	s1 =	sld [smem:$0x3F9B];
	s0 =	simm.s32 @p0 $0x1  }
0x13: {  	[smem:$0x3FB6] =	sst s0;
	s0 =	simm.s32 @!p1 $0x0  }
0x14: {  	s2 =	sld [smem:$0x3F9A];
	s0 =	simm.s32 @p1 $0x1  }
0x15: {  	[smem:$0x3FB7] =	sst s0;
	s0 =	simm.s32 @!p2 $0x0  }
0x16: {  	s3 =	sld [smem:$0x3FDB];
	s0 =	simm.s32 @p2 $0x1  }
0x17: {  	s4 =	simm.s32 $0x1BF5;
	[smem:$0x3FB9] =	sst s0  }
0x18: {  	s0 =	sld [smem:$0x3F9C];
	_ =	swait.ge [sflag:s4], $0x0  }
0x19: {  	s7 =	sld [smem:$0x3F9D]  }
0x1a: {  	s8 =	sadd.s32 $0xFFFFE003, lr  }
0x1b: {  	s9 =	sadd.s32 $0xFFFFFEF7, lr;
	s5 =	simm.s32 $0xFFFFFFFF;
	p2 =	slt.u32 s8, $0xFFFFF086  }
0x1c: {  	p1 =	slt.u32 s9, $0xF7A;
	s5 =	simm.s32 @!p2 $0x0  }
0x1d: {  	s5 =	simm.s32 @p1 $0x1;
	p0 =	seq.s32 s7, s2  }
0x1e: {  	s7 =	smul.u32 @!p0 $0xF7A, s2;
	p2 =	seq.s32 @!p0 s5, $0x0  }
0x1f: {  	s9 =	smul.u32 $0xF7A, s1;
	s8 =	simm.s32 @!p0 $0x1BF5;
	p2 =	por !p2, p0  }
0x20: {  	[sflag:s8] =	ssyncset.s32 @!p0 $0xFFFFF086;
	s6 =	sadd.s32 @!p0 s3, s7;
	s7 =	simm.s32 @!p0 $0x108  }
0x21: {  	s3 =	sadd.s32 s3, s9;
	s6 =	sadd.s32 @!p0 $0x88, s6;
	s7 =	simm.s32 @p2 $0x1082  }
0x22: {  	[simem:s7], [sflag:s8] =	dma.local @!p0 [hbm:s6], $0xF7A  }
0x23: {  	s9 =	sor.u32 $0xD0000000, s2;
	s6 =	simm.s32 $0x108;
	_ =	swait.ge @!p0 [sflag:s8], $0x0  }
0x24: {  	s3 =	sadd.s32 $0x88, s3;
	s6 =	simm.s32 @!p1 $0x1082;
	[sflag:s4] =	ssyncset.s32 $0xFFFFF086  }
0x25: {  	[simem:s6], [sflag:s4] =	dma.local [hbm:s3], $0xF7A  }
0x26: {  	[smem:$0x3F9D] =	sst s1;
	(tag) =	ssettag s2;
	_ =	strace s9  }
0x27: {  	s1 =	sld [smem:$0x3FAD]  }
0x28: {  	s2 =	sld [smem:$0x3FAE]  }
0x29: {  	s4 =	sld [smem:$0x3FB0]  }
0x2a: {  	p0 =	seq.s32 s5, $0x0;
	s5 =	sld [smem:$0x3FB1]  }
0x2b: {  	s6 =	sld [smem:$0x3FB2]  }
0x2c: {  	s7 =	sld [smem:$0x3FB3]  }
0x2d: {  	s3 =	simm.s32 $0x108;
	s8 =	sld [smem:$0x3FB4]  }
0x2e: {  	s3 =	simm.s32 @!p0 $0x1082;
	s9 =	sld [smem:$0x3FB5]  }
0x2f: {  	lr =	sadd.s32 s0, s3;
	s0 =	sld [smem:$0x3FAC]  }
0x30: {  	s3 =	sld [smem:$0x3FAF]  }
0x31: {  	[smem:$0x3FB8] =	sst s10  }
0x32: {  	s10 =	sld [smem:$0x3FB6];
	_ =	sdelay $0x3  }
0x33: {  	p0 =	seq.s32 s10, $0x1;
	s10 =	sld [smem:$0x3FB8];
	_ =	sdelay $0x3  }
0x34: {  	[smem:$0x3FB8] =	sst s10  }
0x35: {  	s10 =	sld [smem:$0x3FB7];
	_ =	sdelay $0x3  }
0x36: {  	p1 =	seq.s32 s10, $0x1;
	s10 =	sld [smem:$0x3FB8];
	_ =	sdelay $0x3  }
0x37: {  	[smem:$0x3FB8] =	sst s10  }
0x38: {  	s10 =	sld [smem:$0x3FB9]  }
0x39: {  	_ = 	snop;
	(pc) =	sbr.ind lr, $3  }
0x3a: {  	_ = 	snop  }
0x3b: {  	_ = 	snop  }
0x3c: {  	p2 =	seq.s32 s10, $0x1;
	s10 =	sld [smem:$0x3FB8]  }
0x3d: {  	_ =	shalt  }
0x3e: {  	_ =	shalt  }
0x3f: {  	_ =	shalt  }
0x40: {  	_ =	shalt  }
0x41: {  	_ =	shalt  }
0x42: {  	_ =	shalt  }
0x43: {  	_ =	shalt  }
0x44: {  	_ =	shalt  }
0x45: {  	_ =	shalt  }
0x46: {  	_ =	shalt  }
0x47: {  	_ =	shalt  }
0x48: {  	_ =	shalt  }
0x49: {  	_ =	shalt  }
0x4a: {  	_ =	shalt  }
0x4b: {  	_ =	shalt  }
0x4c: {  	_ =	shalt  }
0x4d: {  	_ =	shalt  }
0x4e: {  	_ =	shalt  }
0x4f: {  	_ =	shalt  }
0x50: {  	_ =	shalt  }
0x51: {  	_ =	shalt  }
0x52: {  	_ =	shalt  }
0x53: {  	_ =	shalt  }
0x54: {  	_ =	shalt  }
0x55: {  	_ =	shalt  }
0x56: {  	_ =	shalt  }
0x57: {  	_ =	shalt  }
0x58: {  	_ =	shalt  }
0x59: {  	_ =	shalt  }
0x5a: {  	_ =	shalt  }
0x5b: {  	_ =	shalt  }
0x5c: {  	_ =	shalt  }
0x5d: {  	_ =	shalt  }
0x5e: {  	_ =	shalt  }
0x5f: {  	_ =	shalt  }
0x60: {  	_ =	shalt  }
0x61: {  	_ =	shalt  }
0x62: {  	_ =	shalt  }
0x63: {  	_ =	shalt  }
0x64: {  	_ =	shalt  }
0x65: {  	_ =	shalt  }
0x66: {  	_ =	shalt  }
0x67: {  	_ =	shalt  }
0x68: {  	_ =	shalt  }
0x69: {  	_ =	shalt  }
0x6a: {  	_ =	shalt  }
0x6b: {  	_ =	shalt  }
0x6c: {  	_ =	shalt  }
0x6d: {  	_ =	shalt  }
0x6e: {  	_ =	shalt  }
0x6f: {  	_ =	shalt  }
0x70: {  	_ =	shalt  }
0x71: {  	_ =	shalt  }
0x72: {  	_ =	shalt  }
0x73: {  	_ =	shalt  }
0x74: {  	_ =	shalt  }
0x75: {  	_ =	shalt  }
0x76: {  	_ =	shalt  }
0x77: {  	_ =	shalt  }
0x78: {  	_ =	shalt  }
0x79: {  	_ =	shalt  }
0x7a: {  	_ =	shalt  }
0x7b: {  	_ =	shalt  }
0x7c: {  	_ =	shalt  }
0x7d: {  	_ =	shalt  }
0x7e: {  	_ =	shalt  }
0x7f: {  	_ =	shalt  }
0x80: {  	_ =	shalt  }
0x81: {  	_ =	shalt  }
0x82: {  	_ =	shalt  }
0x83: {  	_ =	shalt  }
0x84: {  	_ =	shalt  }
0x85: {  	_ =	shalt  }
0x86: {  	_ =	shalt  }
0x87: {  	_ =	shalt  }
.Lfunc_end0:
.L_simem_size_0:
called_computation_lowered:
.L_overlay_start_0:
0x88: {  	s2 =	sld [smem:$0x3FD9]  }
0x89: {  	s3 =	sld [smem:$0x3FFE];
	_ =	sdelay $0x1  }
0x8a: {  	s1 =	srdreg.scid  }
0x8b: {  	s0 =	sand.u32 $0x1, s1  }
0x8c: {  	s17 =	sshll.u32 s0, $0xA;
	s2 =	sadd.s32 s3, s2  }
0x8d: {  	s2 =	sadd.s32 s2, s17  }
0x8e: {  	[smem:$0x3FC4] =	sst s2  }
0x8f: {  	_ = 	snop  }
0x90: {  	s2 =	sld [smem:$0x3FC9];
	(tm) =	ssettm $0x1  }
0x91: {  	s18 =	sld [smem:$0x3FFB];
	_ =	sdelay $0x3  }
0x92: {  	_ =	strace s18  }
0x93: {  	s3 =	sld [smem:$0x3FFC];
	_ =	sdelay $0x3  }
0x94: {  	_ =	strace s3  }
0x95: {  	s3 =	sld [smem:$0x3FFD];
	_ =	sdelay $0x3  }
0x96: {  	_ =	strace s3  }
0x97: {  	_ =	strace $0x8FFFFFFF  }
0x98: {  	s19 =	sld [smem:$0x3FDB];
	_ =	sdelay $0x1  }
0x99: {  	s4 =	simm.s32 $_scs_section_size  }
0x9a: {  	s5 =	simm.s32 $_size__tile_overlayer_lowered;
	s6 =	simm.s32 $_tile_overlayer_lowered  }
0x9b: {  	s22 =	simm.s32 $0x1BFF;
	s21 =	sshll.u32 s6, $0x1;
	s3 =	sadd.s32 s4, s19  }
0x9c: {  	s7 =	simm.s32 $0x0;
	s20 =	sshll.u32 s5, $0x1;
	s5 =	sadd.s32 s21, s3  }
0x9d: {  	[timem:s7], [sflag:s22] =	dma.local [hbm:s5], s20  }
0x9e: {  	_ =	swait.ge [sflag:s22], s20  }
0x9f: {  	s4 =	ssub.s32 $0x0, s20;
	[sflag:s22] =	ssyncset.done $0x0  }
0xa0: {  	[sflag:s22] =	ssyncadd.s32 s4;
	_ =	sdelay $0x1  }
0xa1: {  	s23 =	simm.s32 $0x1B8B  }
0xa2: {  	_ =	swait.ge [sflag:s23], $0x1  }
0xa3: {  	[sflag:s23] =	ssyncset.done $0x0  }
0xa4: {  	s25 =	simm.s32 $0x1B8E;
	s24 =	sld [smem:$0x3FFE];
	[sflag:s23] =	ssyncadd.s32 $0xFFFFFFFF  }
0xa5: {  	s26 =	simm.s32 $execute0_lowered;
	[smem:$0x3FD2] =	sst s25  }
0xa6: {  	s5 =	sshll.u32 s26, $0x1;
	_ =	strace $0x80000046;
	[dreg:$0x1] =	wrdreg $0xFFFFFFFF  }
0xa7: {  	s28 =	simm.s32 $_size_execute0_lowered;
	s3 =	sadd.s32 s3, s5;
	[dreg:$0x0] =	wrdreg $0x0  }
0xa8: {  	s5 =	sshll.u32 s28, $0x1;
	[dreg:$0x2] =	wrdreg s3  }
0xa9: {  	[dreg:$0x3] =	wrdreg s5  }
0xaa: {  	[dreg:$0x4] =	wrdreg $0xC0  }
0xab: {  	_ =	task [dreg:s7], $0x5FFFF  }
0xac: {  	[dreg:$0x1] =	wrdreg $0xFFFFFFFF  }
0xad: {  	[dreg:$0x0] =	wrdreg $0x60  }
0xae: {  	[dreg:$0x2] =	wrdreg s2  }
0xaf: {  	[dreg:$0x3] =	wrdreg s24  }
0xb0: {  	[dreg:$0x4] =	wrdreg $0x9  }
0xb1: {  	_ =	task.clear_ibuf [dreg:s7], $0x5FFFF;
	_ =	strace $0x90000046  }
0xb2: {  	s29 =	simm.s32 $0x9;
	_ =	strace $0x80000048  }
0xb3: {  	_ =	swait.ge [sflag:s29], $0x1  }
0xb4: {  	[sflag:s29] =	ssyncadd.s32 $0xFFFFFFFF  }
0xb5: {  	_ =	strace $0x90000048  }
0xb6: {  	_ =	sfence  }
0xb7: {  	s30 =	sld [smem:$0x0];
	_ =	sdelay $0x2  }
0xb8: {  	s31 =	sshll.u32 s1, $0xD;
	s1 =	sshrl.u32 s1, $0x2  }
0xb9: {  	s3 =	sand.u32 $0x4000, s31;
	s1 =	sadd.s32 s1, s30  }
0xba: {  	s0 =	sor.u32 s3, s0;
	s1 =	sshll.u32 s1, $0x11  }
0xbb: {  	s0 =	sor.u32 s1, s0  }
0xbc: {  	s0 =	sadd.s32 $0x8F2B, s0  }
0xbd: {  	[sflag:s0] =	ssyncadd.remote.s32 $0x1  }
0xbe: {  	_ =	sfence.sel $0xFFFF  }
0xbf: {  	[dreg:$0x0] =	wrdreg $0xFFFFFFFF;
	(pc) =	sbr.abs _section_cstart, $3  }
0xc0: {  	[dreg:$0x1] =	wrdreg $0xFFFFFFFF  }
0xc1: {  	_ =	task.clear_ibuf [dreg:s7], $0x2FFFF;
	_ =	strace $0x9FFFFFFF  }
0xc2: {  	(tm) =	ssettm $0x7FFFFFFF  }
0xc3: {  	_ =	shalt  }
tec
execute0_lowered:
.L_overlay_start_1:
0x0: {  	(tag) =	ssettag $0x1  }
0x1: {  	s5 =	rddreg [dreg:$0x0]  }
0x2: {  	s0 =	stileid.u32;
	s3 =	rddreg [dreg:$0x1]  }
0x3: {  	s2 =	srdreg.scid;
	s1 =	rddreg [dreg:$0x2]  }
0x4: {  	s13 =	simm.s32 $0x2000;
	s14 =	simm.s32 $0x5000;
	s15 =	simm.s32 $0x1  }
0x5: {  	s16 =	simm.s32 $0x3;
	s17 =	simm.s32 $0x2;
	s18 =	simm.s32 $0x4  }
0x6: {  	s19 =	simm.s32 $0x6000;
	s20 =	simm.s32 $0x5;
	s21 =	simm.s32 $0x0  }
0x7: {  	s4 =	sshll.u32 s0, $0x1;
	s6 =	sand.u32 $0x1, s2;
	s2 =	simm.s32 $0x0  }
0x8: {  	s7 =	sshrl.u32 s0, $0x3;
	s28 =	sand.u32 $0x7, s0;
	s4 =	sand.u32 $0xE, s4  }
0x9: {  	s8 =	smul.u32 $0x6000, s7;
	s24 =	sshll.u32 s7, $0xC;
	[smem:$0x7FF] =	sst s2  }
0xa: {  	s10 =	ssub.s32 $0x2, s6;
	s7 =	sshll.u32 s7, $0x15;
	s29 =	sshll.u32 s28, $0x9  }
0xb: {  	s30 =	sshll.u32 s6, $0x8;
	s4 =	sor.u32 s6, s4;
	_ =	strace $0x80000047  }
0xc: {  	s25 =	sshrl.u32 s10, $0x1;
	s9 =	sshll.u32 s4, $0x8;
	s8 =	sadd.s32 s8, s3  }
0xd: {  	s10 =	ssub.s32 s10, s25;
	s4 =	sor.u32 s24, s9;
	s11 =	sadd.s32 s5, s9  }
0xe: {  	s5 =	sadd.s32 s7, s5;
	s6 =	sadd.s32 $0xE00, s8;
	s4 =	sshrl.u32 s4, $0x3  }
.Ltmp0:
0xf: {  	s26 =	sadd.s32 s7, s11;
	s9 =	sadd.s32 s9, s5;
	(pc) =	sbr.rel .LBB2_1-.Ltmp0, $4  }
0x10: {  	s7 =	sadd.s32 s29, s5;
	s11 =	simm.s32 $0x8000;
	s12 =	sadd.s32 s4, s3  }
0x11: {  	s3 =	sadd.s32 $0x140000, s26;
	s4 =	sadd.s32 $0xC00, s8;
	s5 =	sadd.s32 $0x144000, s9  }
0x12: {  	s31 =	sadd.s32 s30, s7;
	s8 =	smax.u32 s10, $0x1;
	s10 =	simm.s32 $0x800  }
0x13: {  	s7 =	sadd.s32 $0xCC00, s12;
	s9 =	sadd.s32 $0x148000, s31;
	s12 =	simm.s32 $0x4000  }
.LBB2_4:
0x14: {  	[tilespmem:$0x6000] =	vst v15  }
0x15: {  	[tilespmem:$0x6010] =	vst v14  }
0x16: {  	[tilespmem:$0x6020] =	vst v13  }
0x17: {  	[tilespmem:$0x6030] =	vst v12  }
0x18: {  	[tilespmem:$0x6040] =	vst v10  }
0x19: {  	[tilespmem:$0x6050] =	vst v11  }
0x1a: {  	[tilespmem:$0x6060] =	vst v9  }
0x1b: {  	[tilespmem:$0x6070] =	vst v8  }
0x1c: {  	[tilespmem:$0x6080] =	vst v7  }
0x1d: {  	[tilespmem:$0x6090] =	vst v6  }
0x1e: {  	[tilespmem:$0x60A0] =	vst v5  }
0x1f: {  	[tilespmem:$0x60B0] =	vst v4  }
0x20: {  	[tilespmem:$0x60C0] =	vst v3  }
0x21: {  	[tilespmem:$0x60D0] =	vst v2;
	s21 =	sadd.s32 $0x1, s21  }
0x22: {  	[tilespmem:$0x60E0] =	vst v1;
	p0 =	sne.s32 s21, s8  }
.Ltmp1:
0x23: {  	[tilespmem:$0x60F0] =	vst v0;
	(pc) =	sbr.rel @!p0 .LBB2_5-.Ltmp1, $4  }
0x24: {  	[hbm4b:s7+s2] =	stream.linear.scatter [tilespmem:s19], [sflag:$0x5], $0x100, $0x38;
	[tilespmem:$0x6100] =	vst v63  }
0x25: {  	_ =	swait.ge [sflag:s20], $0x100  }
0x26: {  	[sflag:s20] =	ssyncset.done $0x0  }
0x27: {  	[sflag:s20] =	ssyncadd.s32 $0xFFFFFF00  }
.LBB2_1:
0x28: {  	[tilespmem:s2], [sflag:$0x1] =	stream.strided.gather [hbm4b:s3+s10], $0x2000, s11, s10, $0x38;
	[tilespmem:$0x6100] =	vst v63  }
0x29: {  	v0 =	vimm.f32 $0.0e+00  }
0x2a: {  	v1 =	vimm.f32 $0.0e+00;
	v2 =	vimm.f32 $0.0e+00;
	v3 =	vimm.f32 $0.0e+00;
	[tilespmem:s12], [sflag:$0x3] =	stream.linear.gather [hbm4b:s4+s2], $0x1000, $0x38;
	[tilespmem:$0x6100] =	vst v63  }
0x2b: {  	v4 =	vimm.f32 $0.0e+00;
	v5 =	vimm.f32 $0.0e+00;
	v6 =	vimm.f32 $0.0e+00  }
0x2c: {  	v7 =	vimm.f32 $0.0e+00;
	v8 =	vimm.f32 $0.0e+00;
	v9 =	vimm.f32 $0.0e+00;
	[tilespmem:s13], [sflag:$0x2] =	stream.strided.gather [hbm4b:s5+s10], $0x2000, s11, s10, $0x38;
	[tilespmem:$0x6100] =	vst v63  }
0x2d: {  	v11 =	vimm.f32 $0.0e+00;
	v10 =	vimm.f32 $0.0e+00;
	v12 =	vimm.f32 $0.0e+00;
	s22 =	smov.u32 s9;
	s23 =	simm.s32 $0x0  }
0x2e: {  	v13 =	vimm.f32 $0.0e+00;
	v14 =	vimm.f32 $0.0e+00;
	v15 =	vimm.f32 $0.0e+00;
	[tilespmem:s14], [sflag:$0x4] =	stream.linear.gather [hbm4b:s6+s2], $0x1000, $0x38;
	[tilespmem:$0x6100] =	vst v63  }
.LBB2_2:
0x2f: {  	_ =	swait.ge [sflag:s15], $0x2000  }
0x30: {  	[sflag:s15] =	ssyncset.done $0x0  }
0x31: {  	[sflag:s15] =	ssyncadd.s32 $0xFFFFE000  }
0x32: {  	_ =	swait.ge [sflag:s16], $0x1000  }
0x33: {  	[sflag:s16] =	ssyncset.done $0x0  }
0x34: {  	[sflag:s16] =	ssyncadd.s32 $0xFFFFF000  }
0x35: {  	v16 =	vld [tilespmem:$0x4000]  }
0x36: {  	v17 =	vld [tilespmem:$0x0]  }
0x37: {  	v18 =	vld [tilespmem:$0x10]  }
0x38: {  	v19 =	vld [tilespmem:$0x20]  }
0x39: {  	v20 =	vld [tilespmem:$0x30]  }
0x3a: {  	v21 =	vld [tilespmem:$0x40]  }
0x3b: {  	v22 =	vld [tilespmem:$0x50]  }
0x3c: {  	v23 =	vld [tilespmem:$0x60]  }
0x3d: {  	v24 =	vld [tilespmem:$0x70]  }
0x3e: {  	v25 =	vld [tilespmem:$0x400]  }
0x3f: {  	v26 =	vld [tilespmem:$0x410]  }
0x40: {  	v27 =	vld [tilespmem:$0x420]  }
0x41: {  	v28 =	vld [tilespmem:$0x430]  }
0x42: {  	v29 =	vld [tilespmem:$0x440]  }
0x43: {  	p0 =	seq.s32 s23, $0x5C00;
	v30 =	vld [tilespmem:$0x450]  }
0x44: {  	s24 =	simm.s32 @!p0 $0x800;
	s25 =	simm.s32 @!p0 $0x8000;
	s26 =	simm.s32 @!p0 $0x0;
	v31 =	vld [tilespmem:$0x460]  }
0x45: {  	v32 =	vld [tilespmem:$0x470];
	[tilespmem:s26], [sflag:$0x1] =	stream.strided.gather @!p0 [hbm4b:s22+s24], $0x2000, s25, s24, $0x38  }
0x46: {  	s24 =	sadd.s32 @!p0 s23, s4  }
0x47: {  	s25 =	simm.s32 @!p0 $0x4000;
	s24 =	sadd.s32 @!p0 $0x400, s24  }
0x48: {  	[tilespmem:s25], [sflag:$0x3] =	stream.linear.gather @!p0 [hbm4b:s24+s26], $0x1000, $0x38;
	[tilespmem:$0x6100] =	vst v63  }
0x49: {  	_ =	swait.ge [sflag:s17], $0x2000  }
0x4a: {  	[sflag:s17] =	ssyncset.done $0x0  }
0x4b: {  	[sflag:s17] =	ssyncadd.s32 $0xFFFFE000  }
0x4c: {  	_ =	swait.ge [sflag:s18], $0x1000  }
0x4d: {  	[sflag:s18] =	ssyncset.done $0x0  }
0x4e: {  	[sflag:s18] =	ssyncadd.s32 $0xFFFFF000  }
0x4f: {  	v33 =	vld [tilespmem:$0x5000]  }
0x50: {  	v17 =	vmul.f32 v17, v16;
	v18 =	vmul.f32 v18, v16;
	v34 =	vld [tilespmem:$0x2000]  }
0x51: {  	v19 =	vmul.f32 v19, v16;
	v36 =	vmul.f32 v21, v16;
	v35 =	vld [tilespmem:$0x2010]  }
0x52: {  	v37 =	vmul.f32 v22, v16;
	v39 =	vmul.f32 v24, v16;
	v63 =	vld [tilespmem:$0x2020]  }
0x53: {  	v41 =	vmul.f32 v25, v16;
	v15 =	vadd.f32 v17, v15;
	v17 =	vmul.f32 v20, v16;
	v38 =	vld [tilespmem:$0x2030]  }
0x54: {  	v44 =	vmul.f32 v27, v16;
	v45 =	vmul.f32 v28, v16;
	v14 =	vadd.f32 v18, v14;
	v40 =	vld [tilespmem:$0x2040]  }
0x55: {  	v13 =	vadd.f32 v19, v13;
	v12 =	vadd.f32 v17, v12;
	v17 =	vmul.f32 v23, v16;
	v42 =	vld [tilespmem:$0x2050]  }
0x56: {  	v47 =	vmul.f32 v30, v16;
	v10 =	vadd.f32 v36, v10;
	v11 =	vadd.f32 v37, v11;
	v43 =	vld [tilespmem:$0x2060]  }
0x57: {  	v8 =	vadd.f32 v39, v8;
	v46 =	vld [tilespmem:$0x2070];
	v9 =	vadd.f32 v17, v9;
	v17 =	vmul.f32 v26, v16  }
0x58: {  	v49 =	vmul.f32 v31, v16;
	v7 =	vadd.f32 v41, v7;
	v5 =	vadd.f32 v44, v5;
	v48 =	vld [tilespmem:$0x2400]  }
0x59: {  	v50 =	vld [tilespmem:$0x2410];
	v6 =	vadd.f32 v17, v6;
	v17 =	vmul.f32 v29, v16;
	v16 =	vmul.f32 v32, v16  }
0x5a: {  	v4 =	vadd.f32 v45, v4;
	v57 =	vld [tilespmem:$0x2450];
	v51 =	vmul.f32 v34, v33;
	v52 =	vmul.f32 v35, v33  }
0x5b: {  	v2 =	vadd.f32 v47, v2;
	v53 =	vld [tilespmem:$0x2430];
	v54 =	vmul.f32 v38, v33;
	v56 =	vmul.f32 v40, v33  }
0x5c: {  	v3 =	vadd.f32 v17, v3;
	v17 =	vld [tilespmem:$0x2420];
	v0 =	vadd.f32 v16, v0;
	v16 =	vmul.f32 v63, v33  }
0x5d: {  	v1 =	vadd.f32 v49, v1;
	v55 =	vld [tilespmem:$0x2440];
	v59 =	vmul.f32 v43, v33;
	v60 =	vmul.f32 v46, v33  }
0x5e: {  	v61 =	vld [tilespmem:$0x2470];
	v24 =	vmul.f32 v50, v33;
	v13 =	vadd.f32 v16, v13;
	v16 =	vmul.f32 v42, v33  }
0x5f: {  	v58 =	vld [tilespmem:$0x2460];
	v62 =	vmul.f32 v57, v33;
	v15 =	vadd.f32 v51, v15;
	v14 =	vadd.f32 v52, v14  }
0x60: {  	v12 =	vadd.f32 v54, v12;
	v11 =	vadd.f32 v16, v11;
	v16 =	vmul.f32 v48, v33  }
0x61: {  	v10 =	vadd.f32 v56, v10;
	v9 =	vadd.f32 v59, v9;
	v17 =	vmul.f32 v17, v33  }
.Ltmp2:
0x62: {  	v8 =	vadd.f32 v60, v8;
	v7 =	vadd.f32 v16, v7;
	v16 =	vmul.f32 v53, v33;
	(pc) =	sbr.rel @p0 .LBB2_4-.Ltmp2, $4  }
0x63: {  	v63 =	vmul.f32 v61, v33;
	v6 =	vadd.f32 v24, v6;
	v5 =	vadd.f32 v17, v5  }
0x64: {  	v17 =	vmul.f32 v55, v33;
	v4 =	vadd.f32 v16, v4;
	v16 =	vmul.f32 v58, v33  }
0x65: {  	v2 =	vadd.f32 v62, v2;
	v0 =	vadd.f32 v63, v0  }
0x66: {  	v3 =	vadd.f32 v17, v3;
	v1 =	vadd.f32 v16, v1  }
.Ltmp3:
0x67: {  	(pc) =	sbr.rel .LBB2_2-.Ltmp3, $4  }
0x68: {  	s24 =	sadd.s32 $0x4000, s22;
	s31 =	sadd.s32 s23, s4  }
0x69: {  	[tilespmem:s13], [sflag:$0x2] =	stream.strided.gather [hbm4b:s24+s10], $0x2000, s11, s10, $0x38;
	[tilespmem:$0x6100] =	vst v63  }
0x6a: {  	s23 =	sadd.s32 $0x400, s23;
	s22 =	sadd.s32 $0x8000, s22;
	s24 =	sadd.s32 $0x600, s31  }
0x6b: {  	[tilespmem:s14], [sflag:$0x4] =	stream.linear.gather [hbm4b:s24+s2], $0x1000, $0x38;
	[tilespmem:$0x6100] =	vst v63  }
.LBB2_5:
0x6c: {  	_ =	sfence.sel $0x180000  }
0x6d: {  	[bflag:$0x0] =	sbarrier.arrive $0xFFFF  }
0x6e: {  	p0 =	sne.s32 s0, $0x0;
	_ =	strace $0x90000047  }
0x6f: {  	s0 =	sadd.s32 @!p0 $0x100000, s1;
	[bflag:$0x2] =	sbarrier.arrive $0xFFFF  }
0x70: {  	[sflag:s0] =	ssyncadd.tile.s32 @!p0 $0x1;
	_ =	shalt  }
.Lfunc_end2:
_tile_overlayer_lowered:
.L_overlay_start_2:
0x71: {  	(tag) =	ssettag $0x2  }
0x72: {  	s0 =	rddreg [dreg:$0x0];
	s2 =	stileid.u32  }
0x73: {  	s1 =	rddreg [dreg:$0x1];
	p0 =	sne.s32 s2, $0x0  }
0x74: {  	s3 =	rddreg [dreg:$0x2];
	[bflag:$0x3] =	sbarrier.arrive $0xFFFF;
	s2 =	simm.s32 @!p0 $0x1C06  }
0x75: {  	[timem:s3], [sflag:s2] =	dma.local @!p0 [hbm:s0], s1  }
0x76: {  	s0 =	simm.s32 @!p0 $0x6  }
0x77: {  	_ =	swait.ge @!p0 [sflag:s0], s1  }
0x78: {  	s1 =	ssub.s32 @!p0 $0x0, s1;
	[sflag:s0] =	ssyncset.done @!p0 $0x0  }
0x79: {  	[sflag:s0] =	ssyncadd.s32 @!p0 s1  }
0x7a: {  	[bflag:$0x3] =	sbarrier.arrive $0xFFFF  }
0x7b: {  	_ =	shalt  }

</sc_bundles>
